<compile_context>
chip_gen: v7x
topology: tpu7x:2x2x1
jax: 0.10.2.dev20260603
libtpu: 0.0.44.dev20260713+nightly
codegen_flags: <defaults>
</compile_context>

<pallas_src>
import functools

import jax
import jax.numpy as jnp
from jax import lax
from jax.experimental import pallas as pl
from jax.experimental.pallas import tpu as pltpu
from jax.experimental.pallas import tpu_sc as plsc

B = 1
H = 32
L = 4096
D = 128

_NC = 2
_NS = 16
_NW = _NC * _NS
_ROWS = H * L
_RPW = _ROWS // _NW
_CH = 512
_NCHUNK = _RPW // _CH
_NBUF = 3

_mesh = plsc.VectorSubcoreMesh(core_axis_name="c", subcore_axis_name="s")


def _sc_copy_body(k_in, v_in, k_out, v_out, buf, rsem, wsem):
    wid = lax.axis_index("s") * _NC + lax.axis_index("c")
    base = wid * _RPW

    chunks = []
    for src, dst in ((k_in, k_out), (v_in, v_out)):
        for c in range(_NCHUNK):
            chunks.append((src, dst, base + c * _CH))
    n = len(chunks)

    reads = [None] * n
    writes = [None] * n

    def issue_read(i):
        src, _, off = chunks[i]
        b = i % _NBUF
        reads[i] = pltpu.async_copy(
            src.at[pl.ds(off, _CH)], buf.at[b], rsem.at[b])

    def issue_write(i):
        _, dst, off = chunks[i]
        b = i % _NBUF
        reads[i].wait()
        writes[i] = pltpu.async_copy(
            buf.at[b], dst.at[pl.ds(off, _CH)], wsem.at[b])

    for i in range(n):
        if i >= _NBUF:
            writes[i - _NBUF].wait()
        issue_read(i)
        j = i - (_NBUF - 1)
        if j >= 0:
            issue_write(j)
    for j in range(max(0, n - _NBUF + 1), n):
        issue_write(j)
    for j in range(max(0, n - _NBUF), n):
        writes[j].wait()


_sc_copy = functools.partial(
    pl.kernel,
    out_type=(
        jax.ShapeDtypeStruct((_ROWS, D), jnp.bfloat16),
        jax.ShapeDtypeStruct((_ROWS, D), jnp.bfloat16),
    ),
    mesh=_mesh,
    scratch_types=[
        pltpu.VMEM((_NBUF, _CH, D), jnp.bfloat16),
        pltpu.SemaphoreType.DMA((_NBUF,)),
        pltpu.SemaphoreType.DMA((_NBUF,)),
    ],
)(_sc_copy_body)


def kernel(input_pos, k_val, v_val):
    del input_pos
    k2 = k_val.reshape(_ROWS, D)
    v2 = v_val.reshape(_ROWS, D)
    k_out, v_out = _sc_copy(k2, v2)
    return (k_out.reshape(B, H, L, D), v_out.reshape(B, H, L, D))

# --- scband reference (transcript-rebuilt; emitter-appended) ---
"""Pipeline reference for scband-kvcache-window-38087769981038 (READ-ONLY COPY).

The authoritative reference and input builder live on the scoring server;
editing this copy changes nothing except your own understanding.
"""

import jax, jax.numpy as jnp
import numpy as np

B = 1
H = 32
L = 4096
D = 128
GLOBAL_TOKENS = 4
LARGE_INTEGER = 1000000000


def setup_inputs(seed: int = 0) -> dict:
    key = jax.random.key(seed)
    k1, k2 = jax.random.split(key)
    input_pos = jnp.arange(L, dtype=jnp.int32)
    k_val = jax.random.normal(k1, (B, H, L, D), dtype=jnp.bfloat16)
    v_val = jax.random.normal(k2, (B, H, L, D), dtype=jnp.bfloat16)
    return {"input_pos": input_pos, "k_val": k_val, "v_val": v_val}


def reference(input_pos, k_val, v_val):
    # buffers (state at first update: updates=0, insertions=0)
    k_cache = jnp.zeros((B, H, L, D), dtype=jnp.bfloat16)
    v_cache = jnp.zeros((B, H, L, D), dtype=jnp.bfloat16)
    pos = jnp.full((B, L), -1, dtype=jnp.int32)

    S = input_pos.shape[0]
    window = L
    # S == window here, so no keep_idxs truncation branch
    # topk(largest=False) over pos -> smallest S entries
    _, min_k_indices = jax.lax.top_k(-pos, S)  # (B, S)
    min_k_indices = jnp.sort(min_k_indices[0])  # squeeze(0).sort()

    # fill: scatter-overwrite along the cache-length dim
    k_cache = k_cache.at[:, :, min_k_indices, :].set(k_val)
    v_cache = v_cache.at[:, :, min_k_indices, :].set(v_val)

    pos = pos.at[:, min_k_indices].set(input_pos.astype(jnp.int32))

    # global token bookkeeping (global_filled is False since global_tokens > 0)
    global_mask = jnp.logical_and(pos < GLOBAL_TOKENS, pos >= 0)
    pos = jnp.where(global_mask, LARGE_INTEGER, pos)

    insertions = S
    truncate_idx = min(insertions, L)
    return (k_cache[:, :, :truncate_idx, :], v_cache[:, :, :truncate_idx, :])

if __name__ == "__main__":
    import jax
    _d = setup_inputs()
    print(jax.jit(kernel)(*tuple(_d.values())))

</pallas_src>

<mosaic_0001>
#map = affine_map<(d0, d1) -> (0, 0)>
module attributes {stable_mosaic.version = 14 : i64} {
  func.func @_sc_copy_body(%arg0: i32, %arg1: i32, %arg2: memref<131072x128xbf16, #tpu.memory_space<hbm>>, %arg3: memref<131072x128xbf16, #tpu.memory_space<hbm>>, %arg4: memref<131072x128xbf16, #tpu.memory_space<hbm>>, %arg5: memref<131072x128xbf16, #tpu.memory_space<hbm>>, %arg6: memref<3x512x128xbf16, #tpu.memory_space<vmem>>, %arg7: memref<3x!tpu.dma_semaphore, #tpu.memory_space<semaphore_mem>>, %arg8: memref<3x!tpu.dma_semaphore, #tpu.memory_space<semaphore_mem>>) attributes {dimension_semantics = [#tpu.dimension_semantics<core_parallel>, #tpu.dimension_semantics<subcore_parallel>], iteration_bounds = array<i64: 2, 16>, scalar_prefetch = 0 : i64, scratch_operands = 3 : i64, tpu.core_type = #tpu.core_type<sc_vector_subcore>, window_params = [{transform_indices = #map}, {transform_indices = #map}, {transform_indices = #map}, {transform_indices = #map}]} {
    %mul3A = arith.constant 2 : i32
    %mul3A_0 = arith.muli %arg1, %mul3A : i32
    %add3A = arith.addi %mul3A_0, %arg0 : i32
    %mul3A_1 = arith.constant 4096 : i32
    %mul3A_2 = arith.muli %add3A, %mul3A_1 : i32
    %add3A_3 = arith.constant 0 : i32
    %add3A_4 = arith.addi %mul3A_2, %add3A_3 : i32
    %add3A_5 = arith.constant 512 : i32
    %add3A_6 = arith.addi %mul3A_2, %add3A_5 : i32
    %add3A_7 = arith.constant 1024 : i32
    %add3A_8 = arith.addi %mul3A_2, %add3A_7 : i32
    %add3A_9 = arith.constant 1536 : i32
    %add3A_10 = arith.addi %mul3A_2, %add3A_9 : i32
    %add3A_11 = arith.constant 2048 : i32
    %add3A_12 = arith.addi %mul3A_2, %add3A_11 : i32
    %add3A_13 = arith.constant 2560 : i32
    %add3A_14 = arith.addi %mul3A_2, %add3A_13 : i32
    %add3A_15 = arith.constant 3072 : i32
    %add3A_16 = arith.addi %mul3A_2, %add3A_15 : i32
    %add3A_17 = arith.constant 3584 : i32
    %add3A_18 = arith.addi %mul3A_2, %add3A_17 : i32
    %add3A_19 = arith.constant 0 : i32
    %add3A_20 = arith.addi %mul3A_2, %add3A_19 : i32
    %add3A_21 = arith.constant 512 : i32
    %add3A_22 = arith.addi %mul3A_2, %add3A_21 : i32
    %add3A_23 = arith.constant 1024 : i32
    %add3A_24 = arith.addi %mul3A_2, %add3A_23 : i32
    %add3A_25 = arith.constant 1536 : i32
    %add3A_26 = arith.addi %mul3A_2, %add3A_25 : i32
    %add3A_27 = arith.constant 2048 : i32
    %add3A_28 = arith.addi %mul3A_2, %add3A_27 : i32
    %add3A_29 = arith.constant 2560 : i32
    %add3A_30 = arith.addi %mul3A_2, %add3A_29 : i32
    %add3A_31 = arith.constant 3072 : i32
    %add3A_32 = arith.addi %mul3A_2, %add3A_31 : i32
    %add3A_33 = arith.constant 3584 : i32
    %add3A_34 = arith.addi %mul3A_2, %add3A_33 : i32
    %dma_start3A = arith.constant 0 : i32
    %dma_start3A_35 = arith.constant 0 : i32
    %dma_start3A_36 = arith.constant 0 : i32
    %dma_start3A_37 = arith.constant 0 : i32
    %dma_start3A_38 = tpu.memref_slice %arg6[%dma_start3A, %dma_start3A_36, %dma_start3A_37] : memref<3x512x128xbf16, #tpu.memory_space<vmem>> -> memref<1x512x128xbf16, #tpu.memory_space<vmem>>
    %dma_start3A_39 = tpu.memref_squeeze %dma_start3A_38 : memref<1x512x128xbf16, #tpu.memory_space<vmem>> -> memref<512x128xbf16, #tpu.memory_space<vmem>>
    %dma_start3A_40 = arith.constant 0 : i32
    %dma_start3A_41 = tpu.memref_slice %arg2[%add3A_4, %dma_start3A_40] : memref<131072x128xbf16, #tpu.memory_space<hbm>> -> memref<512x128xbf16, #tpu.memory_space<hbm>>
    %dma_start3A_42 = tpu.memref_slice %arg7[%dma_start3A_35] : memref<3x!tpu.dma_semaphore, #tpu.memory_space<semaphore_mem>> -> memref<1x!tpu.dma_semaphore, #tpu.memory_space<semaphore_mem>>
    %dma_start3A_43 = tpu.memref_squeeze %dma_start3A_42 : memref<1x!tpu.dma_semaphore, #tpu.memory_space<semaphore_mem>> -> memref<!tpu.dma_semaphore, #tpu.memory_space<semaphore_mem>>
    %dma_start3A_44 = arith.constant 0 : i32
    %dma_start3A_45 = arith.constant 0 : i32
    %dma_start3A_46 = tpu.memref_slice %arg6[%dma_start3A, %dma_start3A_44, %dma_start3A_45] : memref<3x512x128xbf16, #tpu.memory_space<vmem>> -> memref<1x512x128xbf16, #tpu.memory_space<vmem>>
    %dma_start3A_47 = tpu.memref_squeeze %dma_start3A_46 : memref<1x512x128xbf16, #tpu.memory_space<vmem>> -> memref<512x128xbf16, #tpu.memory_space<vmem>>
    %dma_start3A_48 = arith.constant 0 : i32
    %dma_start3A_49 = tpu.memref_slice %arg2[%add3A_4, %dma_start3A_48] : memref<131072x128xbf16, #tpu.memory_space<hbm>> -> memref<512x128xbf16, #tpu.memory_space<hbm>>
    tpu.enqueue_dma source(%dma_start3A_49 : memref<512x128xbf16, #tpu.memory_space<hbm>>) target(%dma_start3A_47 : memref<512x128xbf16, #tpu.memory_space<vmem>>) target_semaphore(%dma_start3A_43 : memref<!tpu.dma_semaphore, #tpu.memory_space<semaphore_mem>>)
    %dma_start3A_50 = arith.constant 1 : i32
    %dma_start3A_51 = arith.constant 1 : i32
    %dma_start3A_52 = arith.constant 0 : i32
    %dma_start3A_53 = arith.constant 0 : i32
    %dma_start3A_54 = tpu.memref_slice %arg6[%dma_start3A_50, %dma_start3A_52, %dma_start3A_53] : memref<3x512x128xbf16, #tpu.memory_space<vmem>> -> memref<1x512x128xbf16, #tpu.memory_space<vmem>>
    %dma_start3A_55 = tpu.memref_squeeze %dma_start3A_54 : memref<1x512x128xbf16, #tpu.memory_space<vmem>> -> memref<512x128xbf16, #tpu.memory_space<vmem>>
    %dma_start3A_56 = arith.constant 0 : i32
    %dma_start3A_57 = tpu.memref_slice %arg2[%add3A_6, %dma_start3A_56] : memref<131072x128xbf16, #tpu.memory_space<hbm>> -> memref<512x128xbf16, #tpu.memory_space<hbm>>
    %dma_start3A_58 = tpu.memref_slice %arg7[%dma_start3A_51] : memref<3x!tpu.dma_semaphore, #tpu.memory_space<semaphore_mem>> -> memref<1x!tpu.dma_semaphore, #tpu.memory_space<semaphore_mem>>
    %dma_start3A_59 = tpu.memref_squeeze %dma_start3A_58 : memref<1x!tpu.dma_semaphore, #tpu.memory_space<semaphore_mem>> -> memref<!tpu.dma_semaphore, #tpu.memory_space<semaphore_mem>>
    %dma_start3A_60 = arith.constant 0 : i32
    %dma_start3A_61 = arith.constant 0 : i32
    %dma_start3A_62 = tpu.memref_slice %arg6[%dma_start3A_50, %dma_start3A_60, %dma_start3A_61] : memref<3x512x128xbf16, #tpu.memory_space<vmem>> -> memref<1x512x128xbf16, #tpu.memory_space<vmem>>
    %dma_start3A_63 = tpu.memref_squeeze %dma_start3A_62 : memref<1x512x128xbf16, #tpu.memory_space<vmem>> -> memref<512x128xbf16, #tpu.memory_space<vmem>>
    %dma_start3A_64 = arith.constant 0 : i32
    %dma_start3A_65 = tpu.memref_slice %arg2[%add3A_6, %dma_start3A_64] : memref<131072x128xbf16, #tpu.memory_space<hbm>> -> memref<512x128xbf16, #tpu.memory_space<hbm>>
    tpu.enqueue_dma source(%dma_start3A_65 : memref<512x128xbf16, #tpu.memory_space<hbm>>) target(%dma_start3A_63 : memref<512x128xbf16, #tpu.memory_space<vmem>>) target_semaphore(%dma_start3A_59 : memref<!tpu.dma_semaphore, #tpu.memory_space<semaphore_mem>>)
    %dma_start3A_66 = arith.constant 2 : i32
    %dma_start3A_67 = arith.constant 2 : i32
    %dma_start3A_68 = arith.constant 0 : i32
    %dma_start3A_69 = arith.constant 0 : i32
    %dma_start3A_70 = tpu.memref_slice %arg6[%dma_start3A_66, %dma_start3A_68, %dma_start3A_69] : memref<3x512x128xbf16, #tpu.memory_space<vmem>> -> memref<1x512x128xbf16, #tpu.memory_space<vmem>>
    %dma_start3A_71 = tpu.memref_squeeze %dma_start3A_70 : memref<1x512x128xbf16, #tpu.memory_space<vmem>> -> memref<512x128xbf16, #tpu.memory_space<vmem>>
    %dma_start3A_72 = arith.constant 0 : i32
    %dma_start3A_73 = tpu.memref_slice %arg2[%add3A_8, %dma_start3A_72] : memref<131072x128xbf16, #tpu.memory_space<hbm>> -> memref<512x128xbf16, #tpu.memory_space<hbm>>
    %dma_start3A_74 = tpu.memref_slice %arg7[%dma_start3A_67] : memref<3x!tpu.dma_semaphore, #tpu.memory_space<semaphore_mem>> -> memref<1x!tpu.dma_semaphore, #tpu.memory_space<semaphore_mem>>
    %dma_start3A_75 = tpu.memref_squeeze %dma_start3A_74 : memref<1x!tpu.dma_semaphore, #tpu.memory_space<semaphore_mem>> -> memref<!tpu.dma_semaphore, #tpu.memory_space<semaphore_mem>>
    %dma_start3A_76 = arith.constant 0 : i32
    %dma_start3A_77 = arith.constant 0 : i32
    %dma_start3A_78 = tpu.memref_slice %arg6[%dma_start3A_66, %dma_start3A_76, %dma_start3A_77] : memref<3x512x128xbf16, #tpu.memory_space<vmem>> -> memref<1x512x128xbf16, #tpu.memory_space<vmem>>
    %dma_start3A_79 = tpu.memref_squeeze %dma_start3A_78 : memref<1x512x128xbf16, #tpu.memory_space<vmem>> -> memref<512x128xbf16, #tpu.memory_space<vmem>>
    %dma_start3A_80 = arith.constant 0 : i32
    %dma_start3A_81 = tpu.memref_slice %arg2[%add3A_8, %dma_start3A_80] : memref<131072x128xbf16, #tpu.memory_space<hbm>> -> memref<512x128xbf16, #tpu.memory_space<hbm>>
    tpu.enqueue_dma source(%dma_start3A_81 : memref<512x128xbf16, #tpu.memory_space<hbm>>) target(%dma_start3A_79 : memref<512x128xbf16, #tpu.memory_space<vmem>>) target_semaphore(%dma_start3A_75 : memref<!tpu.dma_semaphore, #tpu.memory_space<semaphore_mem>>)
    %dma_wait3A = arith.constant 0 : i32
    %dma_wait3A_82 = arith.constant 0 : i32
    %dma_wait3A_83 = arith.constant 0 : i32
    %dma_wait3A_84 = arith.constant 0 : i32
    %dma_wait3A_85 = tpu.memref_slice %arg6[%dma_wait3A, %dma_wait3A_83, %dma_wait3A_84] : memref<3x512x128xbf16, #tpu.memory_space<vmem>> -> memref<1x512x128xbf16, #tpu.memory_space<vmem>>
    %dma_wait3A_86 = tpu.memref_squeeze %dma_wait3A_85 : memref<1x512x128xbf16, #tpu.memory_space<vmem>> -> memref<512x128xbf16, #tpu.memory_space<vmem>>
    %dma_wait3A_87 = arith.constant 0 : i32
    %dma_wait3A_88 = tpu.memref_slice %arg2[%add3A_4, %dma_wait3A_87] : memref<131072x128xbf16, #tpu.memory_space<hbm>> -> memref<512x128xbf16, #tpu.memory_space<hbm>>
    %dma_wait3A_89 = tpu.memref_slice %arg7[%dma_wait3A_82] : memref<3x!tpu.dma_semaphore, #tpu.memory_space<semaphore_mem>> -> memref<1x!tpu.dma_semaphore, #tpu.memory_space<semaphore_mem>>
    %dma_wait3A_90 = tpu.memref_squeeze %dma_wait3A_89 : memref<1x!tpu.dma_semaphore, #tpu.memory_space<semaphore_mem>> -> memref<!tpu.dma_semaphore, #tpu.memory_space<semaphore_mem>>
    %dma_wait3A_91 = arith.constant 0 : i32
    %dma_wait3A_92 = arith.constant 0 : i32
    %dma_wait3A_93 = tpu.memref_slice %arg6[%dma_wait3A, %dma_wait3A_91, %dma_wait3A_92] : memref<3x512x128xbf16, #tpu.memory_space<vmem>> -> memref<1x512x128xbf16, #tpu.memory_space<vmem>>
    %dma_wait3A_94 = tpu.memref_squeeze %dma_wait3A_93 : memref<1x512x128xbf16, #tpu.memory_space<vmem>> -> memref<512x128xbf16, #tpu.memory_space<vmem>>
    %dma_wait3A_95 = arith.constant 0 : i32
    %dma_wait3A_96 = tpu.memref_slice %arg2[%add3A_4, %dma_wait3A_95] : memref<131072x128xbf16, #tpu.memory_space<hbm>> -> memref<512x128xbf16, #tpu.memory_space<hbm>>
    tpu.wait_dma2 semaphore(%dma_wait3A_90 : memref<!tpu.dma_semaphore, #tpu.memory_space<semaphore_mem>>) src(%dma_wait3A_96 : memref<512x128xbf16, #tpu.memory_space<hbm>>) dst(%dma_wait3A_94 : memref<512x128xbf16, #tpu.memory_space<vmem>>)
    %dma_start3A_97 = arith.constant 0 : i32
    %dma_start3A_98 = arith.constant 0 : i32
    %dma_start3A_99 = arith.constant 0 : i32
    %dma_start3A_100 = arith.constant 0 : i32
    %dma_start3A_101 = tpu.memref_slice %arg6[%dma_start3A_97, %dma_start3A_99, %dma_start3A_100] : memref<3x512x128xbf16, #tpu.memory_space<vmem>> -> memref<1x512x128xbf16, #tpu.memory_space<vmem>>
    %dma_start3A_102 = tpu.memref_squeeze %dma_start3A_101 : memref<1x512x128xbf16, #tpu.memory_space<vmem>> -> memref<512x128xbf16, #tpu.memory_space<vmem>>
    %dma_start3A_103 = arith.constant 0 : i32
    %dma_start3A_104 = tpu.memref_slice %arg4[%add3A_4, %dma_start3A_103] : memref<131072x128xbf16, #tpu.memory_space<hbm>> -> memref<512x128xbf16, #tpu.memory_space<hbm>>
    %dma_start3A_105 = tpu.memref_slice %arg8[%dma_start3A_98] : memref<3x!tpu.dma_semaphore, #tpu.memory_space<semaphore_mem>> -> memref<1x!tpu.dma_semaphore, #tpu.memory_space<semaphore_mem>>
    %dma_start3A_106 = tpu.memref_squeeze %dma_start3A_105 : memref<1x!tpu.dma_semaphore, #tpu.memory_space<semaphore_mem>> -> memref<!tpu.dma_semaphore, #tpu.memory_space<semaphore_mem>>
    %dma_start3A_107 = arith.constant 0 : i32
    %dma_start3A_108 = tpu.memref_slice %arg4[%add3A_4, %dma_start3A_107] : memref<131072x128xbf16, #tpu.memory_space<hbm>> -> memref<512x128xbf16, #tpu.memory_space<hbm>>
    %dma_start3A_109 = arith.constant 0 : i32
    %dma_start3A_110 = arith.constant 0 : i32
    %dma_start3A_111 = tpu.memref_slice %arg6[%dma_start3A_97, %dma_start3A_109, %dma_start3A_110] : memref<3x512x128xbf16, #tpu.memory_space<vmem>> -> memref<1x512x128xbf16, #tpu.memory_space<vmem>>
    %dma_start3A_112 = tpu.memref_squeeze %dma_start3A_111 : memref<1x512x128xbf16, #tpu.memory_space<vmem>> -> memref<512x128xbf16, #tpu.memory_space<vmem>>
    tpu.enqueue_dma source(%dma_start3A_112 : memref<512x128xbf16, #tpu.memory_space<vmem>>) target(%dma_start3A_108 : memref<512x128xbf16, #tpu.memory_space<hbm>>) target_semaphore(%dma_start3A_106 : memref<!tpu.dma_semaphore, #tpu.memory_space<semaphore_mem>>)
    %dma_wait3A_113 = arith.constant 0 : i32
    %dma_wait3A_114 = arith.constant 0 : i32
    %dma_wait3A_115 = arith.constant 0 : i32
    %dma_wait3A_116 = arith.constant 0 : i32
    %dma_wait3A_117 = tpu.memref_slice %arg6[%dma_wait3A_113, %dma_wait3A_115, %dma_wait3A_116] : memref<3x512x128xbf16, #tpu.memory_space<vmem>> -> memref<1x512x128xbf16, #tpu.memory_space<vmem>>
    %dma_wait3A_118 = tpu.memref_squeeze %dma_wait3A_117 : memref<1x512x128xbf16, #tpu.memory_space<vmem>> -> memref<512x128xbf16, #tpu.memory_space<vmem>>
    %dma_wait3A_119 = arith.constant 0 : i32
    %dma_wait3A_120 = tpu.memref_slice %arg4[%add3A_4, %dma_wait3A_119] : memref<131072x128xbf16, #tpu.memory_space<hbm>> -> memref<512x128xbf16, #tpu.memory_space<hbm>>
    %dma_wait3A_121 = tpu.memref_slice %arg8[%dma_wait3A_114] : memref<3x!tpu.dma_semaphore, #tpu.memory_space<semaphore_mem>> -> memref<1x!tpu.dma_semaphore, #tpu.memory_space<semaphore_mem>>
    %dma_wait3A_122 = tpu.memref_squeeze %dma_wait3A_121 : memref<1x!tpu.dma_semaphore, #tpu.memory_space<semaphore_mem>> -> memref<!tpu.dma_semaphore, #tpu.memory_space<semaphore_mem>>
    %dma_wait3A_123 = arith.constant 0 : i32
    %dma_wait3A_124 = tpu.memref_slice %arg4[%add3A_4, %dma_wait3A_123] : memref<131072x128xbf16, #tpu.memory_space<hbm>> -> memref<512x128xbf16, #tpu.memory_space<hbm>>
    %dma_wait3A_125 = arith.constant 0 : i32
    %dma_wait3A_126 = arith.constant 0 : i32
    %dma_wait3A_127 = tpu.memref_slice %arg6[%dma_wait3A_113, %dma_wait3A_125, %dma_wait3A_126] : memref<3x512x128xbf16, #tpu.memory_space<vmem>> -> memref<1x512x128xbf16, #tpu.memory_space<vmem>>
    %dma_wait3A_128 = tpu.memref_squeeze %dma_wait3A_127 : memref<1x512x128xbf16, #tpu.memory_space<vmem>> -> memref<512x128xbf16, #tpu.memory_space<vmem>>
    tpu.wait_dma2 semaphore(%dma_wait3A_122 : memref<!tpu.dma_semaphore, #tpu.memory_space<semaphore_mem>>) src(%dma_wait3A_128 : memref<512x128xbf16, #tpu.memory_space<vmem>>) dst(%dma_wait3A_124 : memref<512x128xbf16, #tpu.memory_space<hbm>>)
    %dma_start3A_129 = arith.constant 0 : i32
    %dma_start3A_130 = arith.constant 0 : i32
    %dma_start3A_131 = arith.constant 0 : i32
    %dma_start3A_132 = arith.constant 0 : i32
    %dma_start3A_133 = tpu.memref_slice %arg6[%dma_start3A_129, %dma_start3A_131, %dma_start3A_132] : memref<3x512x128xbf16, #tpu.memory_space<vmem>> -> memref<1x512x128xbf16, #tpu.memory_space<vmem>>
    %dma_start3A_134 = tpu.memref_squeeze %dma_start3A_133 : memref<1x512x128xbf16, #tpu.memory_space<vmem>> -> memref<512x128xbf16, #tpu.memory_space<vmem>>
    %dma_start3A_135 = arith.constant 0 : i32
    %dma_start3A_136 = tpu.memref_slice %arg2[%add3A_10, %dma_start3A_135] : memref<131072x128xbf16, #tpu.memory_space<hbm>> -> memref<512x128xbf16, #tpu.memory_space<hbm>>
    %dma_start3A_137 = tpu.memref_slice %arg7[%dma_start3A_130] : memref<3x!tpu.dma_semaphore, #tpu.memory_space<semaphore_mem>> -> memref<1x!tpu.dma_semaphore, #tpu.memory_space<semaphore_mem>>
    %dma_start3A_138 = tpu.memref_squeeze %dma_start3A_137 : memref<1x!tpu.dma_semaphore, #tpu.memory_space<semaphore_mem>> -> memref<!tpu.dma_semaphore, #tpu.memory_space<semaphore_mem>>
    %dma_start3A_139 = arith.constant 0 : i32
    %dma_start3A_140 = arith.constant 0 : i32
    %dma_start3A_141 = tpu.memref_slice %arg6[%dma_start3A_129, %dma_start3A_139, %dma_start3A_140] : memref<3x512x128xbf16, #tpu.memory_space<vmem>> -> memref<1x512x128xbf16, #tpu.memory_space<vmem>>
    %dma_start3A_142 = tpu.memref_squeeze %dma_start3A_141 : memref<1x512x128xbf16, #tpu.memory_space<vmem>> -> memref<512x128xbf16, #tpu.memory_space<vmem>>
    %dma_start3A_143 = arith.constant 0 : i32
    %dma_start3A_144 = tpu.memref_slice %arg2[%add3A_10, %dma_start3A_143] : memref<131072x128xbf16, #tpu.memory_space<hbm>> -> memref<512x128xbf16, #tpu.memory_space<hbm>>
    tpu.enqueue_dma source(%dma_start3A_144 : memref<512x128xbf16, #tpu.memory_space<hbm>>) target(%dma_start3A_142 : memref<512x128xbf16, #tpu.memory_space<vmem>>) target_semaphore(%dma_start3A_138 : memref<!tpu.dma_semaphore, #tpu.memory_space<semaphore_mem>>)
    %dma_wait3A_145 = arith.constant 1 : i32
    %dma_wait3A_146 = arith.constant 1 : i32
    %dma_wait3A_147 = arith.constant 0 : i32
    %dma_wait3A_148 = arith.constant 0 : i32
    %dma_wait3A_149 = tpu.memref_slice %arg6[%dma_wait3A_145, %dma_wait3A_147, %dma_wait3A_148] : memref<3x512x128xbf16, #tpu.memory_space<vmem>> -> memref<1x512x128xbf16, #tpu.memory_space<vmem>>
    %dma_wait3A_150 = tpu.memref_squeeze %dma_wait3A_149 : memref<1x512x128xbf16, #tpu.memory_space<vmem>> -> memref<512x128xbf16, #tpu.memory_space<vmem>>
    %dma_wait3A_151 = arith.constant 0 : i32
    %dma_wait3A_152 = tpu.memref_slice %arg2[%add3A_6, %dma_wait3A_151] : memref<131072x128xbf16, #tpu.memory_space<hbm>> -> memref<512x128xbf16, #tpu.memory_space<hbm>>
    %dma_wait3A_153 = tpu.memref_slice %arg7[%dma_wait3A_146] : memref<3x!tpu.dma_semaphore, #tpu.memory_space<semaphore_mem>> -> memref<1x!tpu.dma_semaphore, #tpu.memory_space<semaphore_mem>>
    %dma_wait3A_154 = tpu.memref_squeeze %dma_wait3A_153 : memref<1x!tpu.dma_semaphore, #tpu.memory_space<semaphore_mem>> -> memref<!tpu.dma_semaphore, #tpu.memory_space<semaphore_mem>>
    %dma_wait3A_155 = arith.constant 0 : i32
    %dma_wait3A_156 = arith.constant 0 : i32
    %dma_wait3A_157 = tpu.memref_slice %arg6[%dma_wait3A_145, %dma_wait3A_155, %dma_wait3A_156] : memref<3x512x128xbf16, #tpu.memory_space<vmem>> -> memref<1x512x128xbf16, #tpu.memory_space<vmem>>
    %dma_wait3A_158 = tpu.memref_squeeze %dma_wait3A_157 : memref<1x512x128xbf16, #tpu.memory_space<vmem>> -> memref<512x128xbf16, #tpu.memory_space<vmem>>
    %dma_wait3A_159 = arith.constant 0 : i32
    %dma_wait3A_160 = tpu.memref_slice %arg2[%add3A_6, %dma_wait3A_159] : memref<131072x128xbf16, #tpu.memory_space<hbm>> -> memref<512x128xbf16, #tpu.memory_space<hbm>>
    tpu.wait_dma2 semaphore(%dma_wait3A_154 : memref<!tpu.dma_semaphore, #tpu.memory_space<semaphore_mem>>) src(%dma_wait3A_160 : memref<512x128xbf16, #tpu.memory_space<hbm>>) dst(%dma_wait3A_158 : memref<512x128xbf16, #tpu.memory_space<vmem>>)
    %dma_start3A_161 = arith.constant 1 : i32
    %dma_start3A_162 = arith.constant 1 : i32
    %dma_start3A_163 = arith.constant 0 : i32
    %dma_start3A_164 = arith.constant 0 : i32
    %dma_start3A_165 = tpu.memref_slice %arg6[%dma_start3A_161, %dma_start3A_163, %dma_start3A_164] : memref<3x512x128xbf16, #tpu.memory_space<vmem>> -> memref<1x512x128xbf16, #tpu.memory_space<vmem>>
    %dma_start3A_166 = tpu.memref_squeeze %dma_start3A_165 : memref<1x512x128xbf16, #tpu.memory_space<vmem>> -> memref<512x128xbf16, #tpu.memory_space<vmem>>
    %dma_start3A_167 = arith.constant 0 : i32
    %dma_start3A_168 = tpu.memref_slice %arg4[%add3A_6, %dma_start3A_167] : memref<131072x128xbf16, #tpu.memory_space<hbm>> -> memref<512x128xbf16, #tpu.memory_space<hbm>>
    %dma_start3A_169 = tpu.memref_slice %arg8[%dma_start3A_162] : memref<3x!tpu.dma_semaphore, #tpu.memory_space<semaphore_mem>> -> memref<1x!tpu.dma_semaphore, #tpu.memory_space<semaphore_mem>>
    %dma_start3A_170 = tpu.memref_squeeze %dma_start3A_169 : memref<1x!tpu.dma_semaphore, #tpu.memory_space<semaphore_mem>> -> memref<!tpu.dma_semaphore, #tpu.memory_space<semaphore_mem>>
    %dma_start3A_171 = arith.constant 0 : i32
    %dma_start3A_172 = tpu.memref_slice %arg4[%add3A_6, %dma_start3A_171] : memref<131072x128xbf16, #tpu.memory_space<hbm>> -> memref<512x128xbf16, #tpu.memory_space<hbm>>
    %dma_start3A_173 = arith.constant 0 : i32
    %dma_start3A_174 = arith.constant 0 : i32
    %dma_start3A_175 = tpu.memref_slice %arg6[%dma_start3A_161, %dma_start3A_173, %dma_start3A_174] : memref<3x512x128xbf16, #tpu.memory_space<vmem>> -> memref<1x512x128xbf16, #tpu.memory_space<vmem>>
    %dma_start3A_176 = tpu.memref_squeeze %dma_start3A_175 : memref<1x512x128xbf16, #tpu.memory_space<vmem>> -> memref<512x128xbf16, #tpu.memory_space<vmem>>
    tpu.enqueue_dma source(%dma_start3A_176 : memref<512x128xbf16, #tpu.memory_space<vmem>>) target(%dma_start3A_172 : memref<512x128xbf16, #tpu.memory_space<hbm>>) target_semaphore(%dma_start3A_170 : memref<!tpu.dma_semaphore, #tpu.memory_space<semaphore_mem>>)
    %dma_wait3A_177 = arith.constant 1 : i32
    %dma_wait3A_178 = arith.constant 1 : i32
    %dma_wait3A_179 = arith.constant 0 : i32
    %dma_wait3A_180 = arith.constant 0 : i32
    %dma_wait3A_181 = tpu.memref_slice %arg6[%dma_wait3A_177, %dma_wait3A_179, %dma_wait3A_180] : memref<3x512x128xbf16, #tpu.memory_space<vmem>> -> memref<1x512x128xbf16, #tpu.memory_space<vmem>>
    %dma_wait3A_182 = tpu.memref_squeeze %dma_wait3A_181 : memref<1x512x128xbf16, #tpu.memory_space<vmem>> -> memref<512x128xbf16, #tpu.memory_space<vmem>>
    %dma_wait3A_183 = arith.constant 0 : i32
    %dma_wait3A_184 = tpu.memref_slice %arg4[%add3A_6, %dma_wait3A_183] : memref<131072x128xbf16, #tpu.memory_space<hbm>> -> memref<512x128xbf16, #tpu.memory_space<hbm>>
    %dma_wait3A_185 = tpu.memref_slice %arg8[%dma_wait3A_178] : memref<3x!tpu.dma_semaphore, #tpu.memory_space<semaphore_mem>> -> memref<1x!tpu.dma_semaphore, #tpu.memory_space<semaphore_mem>>
    %dma_wait3A_186 = tpu.memref_squeeze %dma_wait3A_185 : memref<1x!tpu.dma_semaphore, #tpu.memory_space<semaphore_mem>> -> memref<!tpu.dma_semaphore, #tpu.memory_space<semaphore_mem>>
    %dma_wait3A_187 = arith.constant 0 : i32
    %dma_wait3A_188 = tpu.memref_slice %arg4[%add3A_6, %dma_wait3A_187] : memref<131072x128xbf16, #tpu.memory_space<hbm>> -> memref<512x128xbf16, #tpu.memory_space<hbm>>
    %dma_wait3A_189 = arith.constant 0 : i32
    %dma_wait3A_190 = arith.constant 0 : i32
    %dma_wait3A_191 = tpu.memref_slice %arg6[%dma_wait3A_177, %dma_wait3A_189, %dma_wait3A_190] : memref<3x512x128xbf16, #tpu.memory_space<vmem>> -> memref<1x512x128xbf16, #tpu.memory_space<vmem>>
    %dma_wait3A_192 = tpu.memref_squeeze %dma_wait3A_191 : memref<1x512x128xbf16, #tpu.memory_space<vmem>> -> memref<512x128xbf16, #tpu.memory_space<vmem>>
    tpu.wait_dma2 semaphore(%dma_wait3A_186 : memref<!tpu.dma_semaphore, #tpu.memory_space<semaphore_mem>>) src(%dma_wait3A_192 : memref<512x128xbf16, #tpu.memory_space<vmem>>) dst(%dma_wait3A_188 : memref<512x128xbf16, #tpu.memory_space<hbm>>)
    %dma_start3A_193 = arith.constant 1 : i32
    %dma_start3A_194 = arith.constant 1 : i32
    %dma_start3A_195 = arith.constant 0 : i32
    %dma_start3A_196 = arith.constant 0 : i32
    %dma_start3A_197 = tpu.memref_slice %arg6[%dma_start3A_193, %dma_start3A_195, %dma_start3A_196] : memref<3x512x128xbf16, #tpu.memory_space<vmem>> -> memref<1x512x128xbf16, #tpu.memory_space<vmem>>
    %dma_start3A_198 = tpu.memref_squeeze %dma_start3A_197 : memref<1x512x128xbf16, #tpu.memory_space<vmem>> -> memref<512x128xbf16, #tpu.memory_space<vmem>>
    %dma_start3A_199 = arith.constant 0 : i32
    %dma_start3A_200 = tpu.memref_slice %arg2[%add3A_12, %dma_start3A_199] : memref<131072x128xbf16, #tpu.memory_space<hbm>> -> memref<512x128xbf16, #tpu.memory_space<hbm>>
    %dma_start3A_201 = tpu.memref_slice %arg7[%dma_start3A_194] : memref<3x!tpu.dma_semaphore, #tpu.memory_space<semaphore_mem>> -> memref<1x!tpu.dma_semaphore, #tpu.memory_space<semaphore_mem>>
    %dma_start3A_202 = tpu.memref_squeeze %dma_start3A_201 : memref<1x!tpu.dma_semaphore, #tpu.memory_space<semaphore_mem>> -> memref<!tpu.dma_semaphore, #tpu.memory_space<semaphore_mem>>
    %dma_start3A_203 = arith.constant 0 : i32
    %dma_start3A_204 = arith.constant 0 : i32
    %dma_start3A_205 = tpu.memref_slice %arg6[%dma_start3A_193, %dma_start3A_203, %dma_start3A_204] : memref<3x512x128xbf16, #tpu.memory_space<vmem>> -> memref<1x512x128xbf16, #tpu.memory_space<vmem>>
    %dma_start3A_206 = tpu.memref_squeeze %dma_start3A_205 : memref<1x512x128xbf16, #tpu.memory_space<vmem>> -> memref<512x128xbf16, #tpu.memory_space<vmem>>
    %dma_start3A_207 = arith.constant 0 : i32
    %dma_start3A_208 = tpu.memref_slice %arg2[%add3A_12, %dma_start3A_207] : memref<131072x128xbf16, #tpu.memory_space<hbm>> -> memref<512x128xbf16, #tpu.memory_space<hbm>>
    tpu.enqueue_dma source(%dma_start3A_208 : memref<512x128xbf16, #tpu.memory_space<hbm>>) target(%dma_start3A_206 : memref<512x128xbf16, #tpu.memory_space<vmem>>) target_semaphore(%dma_start3A_202 : memref<!tpu.dma_semaphore, #tpu.memory_space<semaphore_mem>>)
    %dma_wait3A_209 = arith.constant 2 : i32
    %dma_wait3A_210 = arith.constant 2 : i32
    %dma_wait3A_211 = arith.constant 0 : i32
    %dma_wait3A_212 = arith.constant 0 : i32
    %dma_wait3A_213 = tpu.memref_slice %arg6[%dma_wait3A_209, %dma_wait3A_211, %dma_wait3A_212] : memref<3x512x128xbf16, #tpu.memory_space<vmem>> -> memref<1x512x128xbf16, #tpu.memory_space<vmem>>
    %dma_wait3A_214 = tpu.memref_squeeze %dma_wait3A_213 : memref<1x512x128xbf16, #tpu.memory_space<vmem>> -> memref<512x128xbf16, #tpu.memory_space<vmem>>
    %dma_wait3A_215 = arith.constant 0 : i32
    %dma_wait3A_216 = tpu.memref_slice %arg2[%add3A_8, %dma_wait3A_215] : memref<131072x128xbf16, #tpu.memory_space<hbm>> -> memref<512x128xbf16, #tpu.memory_space<hbm>>
    %dma_wait3A_217 = tpu.memref_slice %arg7[%dma_wait3A_210] : memref<3x!tpu.dma_semaphore, #tpu.memory_space<semaphore_mem>> -> memref<1x!tpu.dma_semaphore, #tpu.memory_space<semaphore_mem>>
    %dma_wait3A_218 = tpu.memref_squeeze %dma_wait3A_217 : memref<1x!tpu.dma_semaphore, #tpu.memory_space<semaphore_mem>> -> memref<!tpu.dma_semaphore, #tpu.memory_space<semaphore_mem>>
    %dma_wait3A_219 = arith.constant 0 : i32
    %dma_wait3A_220 = arith.constant 0 : i32
    %dma_wait3A_221 = tpu.memref_slice %arg6[%dma_wait3A_209, %dma_wait3A_219, %dma_wait3A_220] : memref<3x512x128xbf16, #tpu.memory_space<vmem>> -> memref<1x512x128xbf16, #tpu.memory_space<vmem>>
    %dma_wait3A_222 = tpu.memref_squeeze %dma_wait3A_221 : memref<1x512x128xbf16, #tpu.memory_space<vmem>> -> memref<512x128xbf16, #tpu.memory_space<vmem>>
    %dma_wait3A_223 = arith.constant 0 : i32
    %dma_wait3A_224 = tpu.memref_slice %arg2[%add3A_8, %dma_wait3A_223] : memref<131072x128xbf16, #tpu.memory_space<hbm>> -> memref<512x128xbf16, #tpu.memory_space<hbm>>
    tpu.wait_dma2 semaphore(%dma_wait3A_218 : memref<!tpu.dma_semaphore, #tpu.memory_space<semaphore_mem>>) src(%dma_wait3A_224 : memref<512x128xbf16, #tpu.memory_space<hbm>>) dst(%dma_wait3A_222 : memref<512x128xbf16, #tpu.memory_space<vmem>>)
    %dma_start3A_225 = arith.constant 2 : i32
    %dma_start3A_226 = arith.constant 2 : i32
    %dma_start3A_227 = arith.constant 0 : i32
    %dma_start3A_228 = arith.constant 0 : i32
    %dma_start3A_229 = tpu.memref_slice %arg6[%dma_start3A_225, %dma_start3A_227, %dma_start3A_228] : memref<3x512x128xbf16, #tpu.memory_space<vmem>> -> memref<1x512x128xbf16, #tpu.memory_space<vmem>>
    %dma_start3A_230 = tpu.memref_squeeze %dma_start3A_229 : memref<1x512x128xbf16, #tpu.memory_space<vmem>> -> memref<512x128xbf16, #tpu.memory_space<vmem>>
    %dma_start3A_231 = arith.constant 0 : i32
    %dma_start3A_232 = tpu.memref_slice %arg4[%add3A_8, %dma_start3A_231] : memref<131072x128xbf16, #tpu.memory_space<hbm>> -> memref<512x128xbf16, #tpu.memory_space<hbm>>
    %dma_start3A_233 = tpu.memref_slice %arg8[%dma_start3A_226] : memref<3x!tpu.dma_semaphore, #tpu.memory_space<semaphore_mem>> -> memref<1x!tpu.dma_semaphore, #tpu.memory_space<semaphore_mem>>
    %dma_start3A_234 = tpu.memref_squeeze %dma_start3A_233 : memref<1x!tpu.dma_semaphore, #tpu.memory_space<semaphore_mem>> -> memref<!tpu.dma_semaphore, #tpu.memory_space<semaphore_mem>>
    %dma_start3A_235 = arith.constant 0 : i32
    %dma_start3A_236 = tpu.memref_slice %arg4[%add3A_8, %dma_start3A_235] : memref<131072x128xbf16, #tpu.memory_space<hbm>> -> memref<512x128xbf16, #tpu.memory_space<hbm>>
    %dma_start3A_237 = arith.constant 0 : i32
    %dma_start3A_238 = arith.constant 0 : i32
    %dma_start3A_239 = tpu.memref_slice %arg6[%dma_start3A_225, %dma_start3A_237, %dma_start3A_238] : memref<3x512x128xbf16, #tpu.memory_space<vmem>> -> memref<1x512x128xbf16, #tpu.memory_space<vmem>>
    %dma_start3A_240 = tpu.memref_squeeze %dma_start3A_239 : memref<1x512x128xbf16, #tpu.memory_space<vmem>> -> memref<512x128xbf16, #tpu.memory_space<vmem>>
    tpu.enqueue_dma source(%dma_start3A_240 : memref<512x128xbf16, #tpu.memory_space<vmem>>) target(%dma_start3A_236 : memref<512x128xbf16, #tpu.memory_space<hbm>>) target_semaphore(%dma_start3A_234 : memref<!tpu.dma_semaphore, #tpu.memory_space<semaphore_mem>>)
    %dma_wait3A_241 = arith.constant 2 : i32
    %dma_wait3A_242 = arith.constant 2 : i32
    %dma_wait3A_243 = arith.constant 0 : i32
    %dma_wait3A_244 = arith.constant 0 : i32
    %dma_wait3A_245 = tpu.memref_slice %arg6[%dma_wait3A_241, %dma_wait3A_243, %dma_wait3A_244] : memref<3x512x128xbf16, #tpu.memory_space<vmem>> -> memref<1x512x128xbf16, #tpu.memory_space<vmem>>
    %dma_wait3A_246 = tpu.memref_squeeze %dma_wait3A_245 : memref<1x512x128xbf16, #tpu.memory_space<vmem>> -> memref<512x128xbf16, #tpu.memory_space<vmem>>
    %dma_wait3A_247 = arith.constant 0 : i32
    %dma_wait3A_248 = tpu.memref_slice %arg4[%add3A_8, %dma_wait3A_247] : memref<131072x128xbf16, #tpu.memory_space<hbm>> -> memref<512x128xbf16, #tpu.memory_space<hbm>>
    %dma_wait3A_249 = tpu.memref_slice %arg8[%dma_wait3A_242] : memref<3x!tpu.dma_semaphore, #tpu.memory_space<semaphore_mem>> -> memref<1x!tpu.dma_semaphore, #tpu.memory_space<semaphore_mem>>
    %dma_wait3A_250 = tpu.memref_squeeze %dma_wait3A_249 : memref<1x!tpu.dma_semaphore, #tpu.memory_space<semaphore_mem>> -> memref<!tpu.dma_semaphore, #tpu.memory_space<semaphore_mem>>
    %dma_wait3A_251 = arith.constant 0 : i32
    %dma_wait3A_252 = tpu.memref_slice %arg4[%add3A_8, %dma_wait3A_251] : memref<131072x128xbf16, #tpu.memory_space<hbm>> -> memref<512x128xbf16, #tpu.memory_space<hbm>>
    %dma_wait3A_253 = arith.constant 0 : i32
    %dma_wait3A_254 = arith.constant 0 : i32
    %dma_wait3A_255 = tpu.memref_slice %arg6[%dma_wait3A_241, %dma_wait3A_253, %dma_wait3A_254] : memref<3x512x128xbf16, #tpu.memory_space<vmem>> -> memref<1x512x128xbf16, #tpu.memory_space<vmem>>
    %dma_wait3A_256 = tpu.memref_squeeze %dma_wait3A_255 : memref<1x512x128xbf16, #tpu.memory_space<vmem>> -> memref<512x128xbf16, #tpu.memory_space<vmem>>
    tpu.wait_dma2 semaphore(%dma_wait3A_250 : memref<!tpu.dma_semaphore, #tpu.memory_space<semaphore_mem>>) src(%dma_wait3A_256 : memref<512x128xbf16, #tpu.memory_space<vmem>>) dst(%dma_wait3A_252 : memref<512x128xbf16, #tpu.memory_space<hbm>>)
    %dma_start3A_257 = arith.constant 2 : i32
    %dma_start3A_258 = arith.constant 2 : i32
    %dma_start3A_259 = arith.constant 0 : i32
    %dma_start3A_260 = arith.constant 0 : i32
    %dma_start3A_261 = tpu.memref_slice %arg6[%dma_start3A_257, %dma_start3A_259, %dma_start3A_260] : memref<3x512x128xbf16, #tpu.memory_space<vmem>> -> memref<1x512x128xbf16, #tpu.memory_space<vmem>>
    %dma_start3A_262 = tpu.memref_squeeze %dma_start3A_261 : memref<1x512x128xbf16, #tpu.memory_space<vmem>> -> memref<512x128xbf16, #tpu.memory_space<vmem>>
    %dma_start3A_263 = arith.constant 0 : i32
    %dma_start3A_264 = tpu.memref_slice %arg2[%add3A_14, %dma_start3A_263] : memref<131072x128xbf16, #tpu.memory_space<hbm>> -> memref<512x128xbf16, #tpu.memory_space<hbm>>
    %dma_start3A_265 = tpu.memref_slice %arg7[%dma_start3A_258] : memref<3x!tpu.dma_semaphore, #tpu.memory_space<semaphore_mem>> -> memref<1x!tpu.dma_semaphore, #tpu.memory_space<semaphore_mem>>
    %dma_start3A_266 = tpu.memref_squeeze %dma_start3A_265 : memref<1x!tpu.dma_semaphore, #tpu.memory_space<semaphore_mem>> -> memref<!tpu.dma_semaphore, #tpu.memory_space<semaphore_mem>>
    %dma_start3A_267 = arith.constant 0 : i32
    %dma_start3A_268 = arith.constant 0 : i32
    %dma_start3A_269 = tpu.memref_slice %arg6[%dma_start3A_257, %dma_start3A_267, %dma_start3A_268] : memref<3x512x128xbf16, #tpu.memory_space<vmem>> -> memref<1x512x128xbf16, #tpu.memory_space<vmem>>
    %dma_start3A_270 = tpu.memref_squeeze %dma_start3A_269 : memref<1x512x128xbf16, #tpu.memory_space<vmem>> -> memref<512x128xbf16, #tpu.memory_space<vmem>>
    %dma_start3A_271 = arith.constant 0 : i32
    %dma_start3A_272 = tpu.memref_slice %arg2[%add3A_14, %dma_start3A_271] : memref<131072x128xbf16, #tpu.memory_space<hbm>> -> memref<512x128xbf16, #tpu.memory_space<hbm>>
    tpu.enqueue_dma source(%dma_start3A_272 : memref<512x128xbf16, #tpu.memory_space<hbm>>) target(%dma_start3A_270 : memref<512x128xbf16, #tpu.memory_space<vmem>>) target_semaphore(%dma_start3A_266 : memref<!tpu.dma_semaphore, #tpu.memory_space<semaphore_mem>>)
    %dma_wait3A_273 = arith.constant 0 : i32
    %dma_wait3A_274 = arith.constant 0 : i32
    %dma_wait3A_275 = arith.constant 0 : i32
    %dma_wait3A_276 = arith.constant 0 : i32
    %dma_wait3A_277 = tpu.memref_slice %arg6[%dma_wait3A_273, %dma_wait3A_275, %dma_wait3A_276] : memref<3x512x128xbf16, #tpu.memory_space<vmem>> -> memref<1x512x128xbf16, #tpu.memory_space<vmem>>
    %dma_wait3A_278 = tpu.memref_squeeze %dma_wait3A_277 : memref<1x512x128xbf16, #tpu.memory_space<vmem>> -> memref<512x128xbf16, #tpu.memory_space<vmem>>
    %dma_wait3A_279 = arith.constant 0 : i32
    %dma_wait3A_280 = tpu.memref_slice %arg2[%add3A_10, %dma_wait3A_279] : memref<131072x128xbf16, #tpu.memory_space<hbm>> -> memref<512x128xbf16, #tpu.memory_space<hbm>>
    %dma_wait3A_281 = tpu.memref_slice %arg7[%dma_wait3A_274] : memref<3x!tpu.dma_semaphore, #tpu.memory_space<semaphore_mem>> -> memref<1x!tpu.dma_semaphore, #tpu.memory_space<semaphore_mem>>
    %dma_wait3A_282 = tpu.memref_squeeze %dma_wait3A_281 : memref<1x!tpu.dma_semaphore, #tpu.memory_space<semaphore_mem>> -> memref<!tpu.dma_semaphore, #tpu.memory_space<semaphore_mem>>
    %dma_wait3A_283 = arith.constant 0 : i32
    %dma_wait3A_284 = arith.constant 0 : i32
    %dma_wait3A_285 = tpu.memref_slice %arg6[%dma_wait3A_273, %dma_wait3A_283, %dma_wait3A_284] : memref<3x512x128xbf16, #tpu.memory_space<vmem>> -> memref<1x512x128xbf16, #tpu.memory_space<vmem>>
    %dma_wait3A_286 = tpu.memref_squeeze %dma_wait3A_285 : memref<1x512x128xbf16, #tpu.memory_space<vmem>> -> memref<512x128xbf16, #tpu.memory_space<vmem>>
    %dma_wait3A_287 = arith.constant 0 : i32
    %dma_wait3A_288 = tpu.memref_slice %arg2[%add3A_10, %dma_wait3A_287] : memref<131072x128xbf16, #tpu.memory_space<hbm>> -> memref<512x128xbf16, #tpu.memory_space<hbm>>
    tpu.wait_dma2 semaphore(%dma_wait3A_282 : memref<!tpu.dma_semaphore, #tpu.memory_space<semaphore_mem>>) src(%dma_wait3A_288 : memref<512x128xbf16, #tpu.memory_space<hbm>>) dst(%dma_wait3A_286 : memref<512x128xbf16, #tpu.memory_space<vmem>>)
    %dma_start3A_289 = arith.constant 0 : i32
    %dma_start3A_290 = arith.constant 0 : i32
    %dma_start3A_291 = arith.constant 0 : i32
    %dma_start3A_292 = arith.constant 0 : i32
    %dma_start3A_293 = tpu.memref_slice %arg6[%dma_start3A_289, %dma_start3A_291, %dma_start3A_292] : memref<3x512x128xbf16, #tpu.memory_space<vmem>> -> memref<1x512x128xbf16, #tpu.memory_space<vmem>>
    %dma_start3A_294 = tpu.memref_squeeze %dma_start3A_293 : memref<1x512x128xbf16, #tpu.memory_space<vmem>> -> memref<512x128xbf16, #tpu.memory_space<vmem>>
    %dma_start3A_295 = arith.constant 0 : i32
    %dma_start3A_296 = tpu.memref_slice %arg4[%add3A_10, %dma_start3A_295] : memref<131072x128xbf16, #tpu.memory_space<hbm>> -> memref<512x128xbf16, #tpu.memory_space<hbm>>
    %dma_start3A_297 = tpu.memref_slice %arg8[%dma_start3A_290] : memref<3x!tpu.dma_semaphore, #tpu.memory_space<semaphore_mem>> -> memref<1x!tpu.dma_semaphore, #tpu.memory_space<semaphore_mem>>
    %dma_start3A_298 = tpu.memref_squeeze %dma_start3A_297 : memref<1x!tpu.dma_semaphore, #tpu.memory_space<semaphore_mem>> -> memref<!tpu.dma_semaphore, #tpu.memory_space<semaphore_mem>>
    %dma_start3A_299 = arith.constant 0 : i32
    %dma_start3A_300 = tpu.memref_slice %arg4[%add3A_10, %dma_start3A_299] : memref<131072x128xbf16, #tpu.memory_space<hbm>> -> memref<512x128xbf16, #tpu.memory_space<hbm>>
    %dma_start3A_301 = arith.constant 0 : i32
    %dma_start3A_302 = arith.constant 0 : i32
    %dma_start3A_303 = tpu.memref_slice %arg6[%dma_start3A_289, %dma_start3A_301, %dma_start3A_302] : memref<3x512x128xbf16, #tpu.memory_space<vmem>> -> memref<1x512x128xbf16, #tpu.memory_space<vmem>>
    %dma_start3A_304 = tpu.memref_squeeze %dma_start3A_303 : memref<1x512x128xbf16, #tpu.memory_space<vmem>> -> memref<512x128xbf16, #tpu.memory_space<vmem>>
    tpu.enqueue_dma source(%dma_start3A_304 : memref<512x128xbf16, #tpu.memory_space<vmem>>) target(%dma_start3A_300 : memref<512x128xbf16, #tpu.memory_space<hbm>>) target_semaphore(%dma_start3A_298 : memref<!tpu.dma_semaphore, #tpu.memory_space<semaphore_mem>>)
    %dma_wait3A_305 = arith.constant 0 : i32
    %dma_wait3A_306 = arith.constant 0 : i32
    %dma_wait3A_307 = arith.constant 0 : i32
    %dma_wait3A_308 = arith.constant 0 : i32
    %dma_wait3A_309 = tpu.memref_slice %arg6[%dma_wait3A_305, %dma_wait3A_307, %dma_wait3A_308] : memref<3x512x128xbf16, #tpu.memory_space<vmem>> -> memref<1x512x128xbf16, #tpu.memory_space<vmem>>
    %dma_wait3A_310 = tpu.memref_squeeze %dma_wait3A_309 : memref<1x512x128xbf16, #tpu.memory_space<vmem>> -> memref<512x128xbf16, #tpu.memory_space<vmem>>
    %dma_wait3A_311 = arith.constant 0 : i32
    %dma_wait3A_312 = tpu.memref_slice %arg4[%add3A_10, %dma_wait3A_311] : memref<131072x128xbf16, #tpu.memory_space<hbm>> -> memref<512x128xbf16, #tpu.memory_space<hbm>>
    %dma_wait3A_313 = tpu.memref_slice %arg8[%dma_wait3A_306] : memref<3x!tpu.dma_semaphore, #tpu.memory_space<semaphore_mem>> -> memref<1x!tpu.dma_semaphore, #tpu.memory_space<semaphore_mem>>
    %dma_wait3A_314 = tpu.memref_squeeze %dma_wait3A_313 : memref<1x!tpu.dma_semaphore, #tpu.memory_space<semaphore_mem>> -> memref<!tpu.dma_semaphore, #tpu.memory_space<semaphore_mem>>
    %dma_wait3A_315 = arith.constant 0 : i32
    %dma_wait3A_316 = tpu.memref_slice %arg4[%add3A_10, %dma_wait3A_315] : memref<131072x128xbf16, #tpu.memory_space<hbm>> -> memref<512x128xbf16, #tpu.memory_space<hbm>>
    %dma_wait3A_317 = arith.constant 0 : i32
    %dma_wait3A_318 = arith.constant 0 : i32
    %dma_wait3A_319 = tpu.memref_slice %arg6[%dma_wait3A_305, %dma_wait3A_317, %dma_wait3A_318] : memref<3x512x128xbf16, #tpu.memory_space<vmem>> -> memref<1x512x128xbf16, #tpu.memory_space<vmem>>
    %dma_wait3A_320 = tpu.memref_squeeze %dma_wait3A_319 : memref<1x512x128xbf16, #tpu.memory_space<vmem>> -> memref<512x128xbf16, #tpu.memory_space<vmem>>
    tpu.wait_dma2 semaphore(%dma_wait3A_314 : memref<!tpu.dma_semaphore, #tpu.memory_space<semaphore_mem>>) src(%dma_wait3A_320 : memref<512x128xbf16, #tpu.memory_space<vmem>>) dst(%dma_wait3A_316 : memref<512x128xbf16, #tpu.memory_space<hbm>>)
    %dma_start3A_321 = arith.constant 0 : i32
    %dma_start3A_322 = arith.constant 0 : i32
    %dma_start3A_323 = arith.constant 0 : i32
    %dma_start3A_324 = arith.constant 0 : i32
    %dma_start3A_325 = tpu.memref_slice %arg6[%dma_start3A_321, %dma_start3A_323, %dma_start3A_324] : memref<3x512x128xbf16, #tpu.memory_space<vmem>> -> memref<1x512x128xbf16, #tpu.memory_space<vmem>>
    %dma_start3A_326 = tpu.memref_squeeze %dma_start3A_325 : memref<1x512x128xbf16, #tpu.memory_space<vmem>> -> memref<512x128xbf16, #tpu.memory_space<vmem>>
    %dma_start3A_327 = arith.constant 0 : i32
    %dma_start3A_328 = tpu.memref_slice %arg2[%add3A_16, %dma_start3A_327] : memref<131072x128xbf16, #tpu.memory_space<hbm>> -> memref<512x128xbf16, #tpu.memory_space<hbm>>
    %dma_start3A_329 = tpu.memref_slice %arg7[%dma_start3A_322] : memref<3x!tpu.dma_semaphore, #tpu.memory_space<semaphore_mem>> -> memref<1x!tpu.dma_semaphore, #tpu.memory_space<semaphore_mem>>
    %dma_start3A_330 = tpu.memref_squeeze %dma_start3A_329 : memref<1x!tpu.dma_semaphore, #tpu.memory_space<semaphore_mem>> -> memref<!tpu.dma_semaphore, #tpu.memory_space<semaphore_mem>>
    %dma_start3A_331 = arith.constant 0 : i32
    %dma_start3A_332 = arith.constant 0 : i32
    %dma_start3A_333 = tpu.memref_slice %arg6[%dma_start3A_321, %dma_start3A_331, %dma_start3A_332] : memref<3x512x128xbf16, #tpu.memory_space<vmem>> -> memref<1x512x128xbf16, #tpu.memory_space<vmem>>
    %dma_start3A_334 = tpu.memref_squeeze %dma_start3A_333 : memref<1x512x128xbf16, #tpu.memory_space<vmem>> -> memref<512x128xbf16, #tpu.memory_space<vmem>>
    %dma_start3A_335 = arith.constant 0 : i32
    %dma_start3A_336 = tpu.memref_slice %arg2[%add3A_16, %dma_start3A_335] : memref<131072x128xbf16, #tpu.memory_space<hbm>> -> memref<512x128xbf16, #tpu.memory_space<hbm>>
    tpu.enqueue_dma source(%dma_start3A_336 : memref<512x128xbf16, #tpu.memory_space<hbm>>) target(%dma_start3A_334 : memref<512x128xbf16, #tpu.memory_space<vmem>>) target_semaphore(%dma_start3A_330 : memref<!tpu.dma_semaphore, #tpu.memory_space<semaphore_mem>>)
    %dma_wait3A_337 = arith.constant 1 : i32
    %dma_wait3A_338 = arith.constant 1 : i32
    %dma_wait3A_339 = arith.constant 0 : i32
    %dma_wait3A_340 = arith.constant 0 : i32
    %dma_wait3A_341 = tpu.memref_slice %arg6[%dma_wait3A_337, %dma_wait3A_339, %dma_wait3A_340] : memref<3x512x128xbf16, #tpu.memory_space<vmem>> -> memref<1x512x128xbf16, #tpu.memory_space<vmem>>
    %dma_wait3A_342 = tpu.memref_squeeze %dma_wait3A_341 : memref<1x512x128xbf16, #tpu.memory_space<vmem>> -> memref<512x128xbf16, #tpu.memory_space<vmem>>
    %dma_wait3A_343 = arith.constant 0 : i32
    %dma_wait3A_344 = tpu.memref_slice %arg2[%add3A_12, %dma_wait3A_343] : memref<131072x128xbf16, #tpu.memory_space<hbm>> -> memref<512x128xbf16, #tpu.memory_space<hbm>>
    %dma_wait3A_345 = tpu.memref_slice %arg7[%dma_wait3A_338] : memref<3x!tpu.dma_semaphore, #tpu.memory_space<semaphore_mem>> -> memref<1x!tpu.dma_semaphore, #tpu.memory_space<semaphore_mem>>
    %dma_wait3A_346 = tpu.memref_squeeze %dma_wait3A_345 : memref<1x!tpu.dma_semaphore, #tpu.memory_space<semaphore_mem>> -> memref<!tpu.dma_semaphore, #tpu.memory_space<semaphore_mem>>
    %dma_wait3A_347 = arith.constant 0 : i32
    %dma_wait3A_348 = arith.constant 0 : i32
    %dma_wait3A_349 = tpu.memref_slice %arg6[%dma_wait3A_337, %dma_wait3A_347, %dma_wait3A_348] : memref<3x512x128xbf16, #tpu.memory_space<vmem>> -> memref<1x512x128xbf16, #tpu.memory_space<vmem>>
    %dma_wait3A_350 = tpu.memref_squeeze %dma_wait3A_349 : memref<1x512x128xbf16, #tpu.memory_space<vmem>> -> memref<512x128xbf16, #tpu.memory_space<vmem>>
    %dma_wait3A_351 = arith.constant 0 : i32
    %dma_wait3A_352 = tpu.memref_slice %arg2[%add3A_12, %dma_wait3A_351] : memref<131072x128xbf16, #tpu.memory_space<hbm>> -> memref<512x128xbf16, #tpu.memory_space<hbm>>
    tpu.wait_dma2 semaphore(%dma_wait3A_346 : memref<!tpu.dma_semaphore, #tpu.memory_space<semaphore_mem>>) src(%dma_wait3A_352 : memref<512x128xbf16, #tpu.memory_space<hbm>>) dst(%dma_wait3A_350 : memref<512x128xbf16, #tpu.memory_space<vmem>>)
    %dma_start3A_353 = arith.constant 1 : i32
    %dma_start3A_354 = arith.constant 1 : i32
    %dma_start3A_355 = arith.constant 0 : i32
    %dma_start3A_356 = arith.constant 0 : i32
    %dma_start3A_357 = tpu.memref_slice %arg6[%dma_start3A_353, %dma_start3A_355, %dma_start3A_356] : memref<3x512x128xbf16, #tpu.memory_space<vmem>> -> memref<1x512x128xbf16, #tpu.memory_space<vmem>>
    %dma_start3A_358 = tpu.memref_squeeze %dma_start3A_357 : memref<1x512x128xbf16, #tpu.memory_space<vmem>> -> memref<512x128xbf16, #tpu.memory_space<vmem>>
    %dma_start3A_359 = arith.constant 0 : i32
    %dma_start3A_360 = tpu.memref_slice %arg4[%add3A_12, %dma_start3A_359] : memref<131072x128xbf16, #tpu.memory_space<hbm>> -> memref<512x128xbf16, #tpu.memory_space<hbm>>
    %dma_start3A_361 = tpu.memref_slice %arg8[%dma_start3A_354] : memref<3x!tpu.dma_semaphore, #tpu.memory_space<semaphore_mem>> -> memref<1x!tpu.dma_semaphore, #tpu.memory_space<semaphore_mem>>
    %dma_start3A_362 = tpu.memref_squeeze %dma_start3A_361 : memref<1x!tpu.dma_semaphore, #tpu.memory_space<semaphore_mem>> -> memref<!tpu.dma_semaphore, #tpu.memory_space<semaphore_mem>>
    %dma_start3A_363 = arith.constant 0 : i32
    %dma_start3A_364 = tpu.memref_slice %arg4[%add3A_12, %dma_start3A_363] : memref<131072x128xbf16, #tpu.memory_space<hbm>> -> memref<512x128xbf16, #tpu.memory_space<hbm>>
    %dma_start3A_365 = arith.constant 0 : i32
    %dma_start3A_366 = arith.constant 0 : i32
    %dma_start3A_367 = tpu.memref_slice %arg6[%dma_start3A_353, %dma_start3A_365, %dma_start3A_366] : memref<3x512x128xbf16, #tpu.memory_space<vmem>> -> memref<1x512x128xbf16, #tpu.memory_space<vmem>>
    %dma_start3A_368 = tpu.memref_squeeze %dma_start3A_367 : memref<1x512x128xbf16, #tpu.memory_space<vmem>> -> memref<512x128xbf16, #tpu.memory_space<vmem>>
    tpu.enqueue_dma source(%dma_start3A_368 : memref<512x128xbf16, #tpu.memory_space<vmem>>) target(%dma_start3A_364 : memref<512x128xbf16, #tpu.memory_space<hbm>>) target_semaphore(%dma_start3A_362 : memref<!tpu.dma_semaphore, #tpu.memory_space<semaphore_mem>>)
    %dma_wait3A_369 = arith.constant 1 : i32
    %dma_wait3A_370 = arith.constant 1 : i32
    %dma_wait3A_371 = arith.constant 0 : i32
    %dma_wait3A_372 = arith.constant 0 : i32
    %dma_wait3A_373 = tpu.memref_slice %arg6[%dma_wait3A_369, %dma_wait3A_371, %dma_wait3A_372] : memref<3x512x128xbf16, #tpu.memory_space<vmem>> -> memref<1x512x128xbf16, #tpu.memory_space<vmem>>
    %dma_wait3A_374 = tpu.memref_squeeze %dma_wait3A_373 : memref<1x512x128xbf16, #tpu.memory_space<vmem>> -> memref<512x128xbf16, #tpu.memory_space<vmem>>
    %dma_wait3A_375 = arith.constant 0 : i32
    %dma_wait3A_376 = tpu.memref_slice %arg4[%add3A_12, %dma_wait3A_375] : memref<131072x128xbf16, #tpu.memory_space<hbm>> -> memref<512x128xbf16, #tpu.memory_space<hbm>>
    %dma_wait3A_377 = tpu.memref_slice %arg8[%dma_wait3A_370] : memref<3x!tpu.dma_semaphore, #tpu.memory_space<semaphore_mem>> -> memref<1x!tpu.dma_semaphore, #tpu.memory_space<semaphore_mem>>
    %dma_wait3A_378 = tpu.memref_squeeze %dma_wait3A_377 : memref<1x!tpu.dma_semaphore, #tpu.memory_space<semaphore_mem>> -> memref<!tpu.dma_semaphore, #tpu.memory_space<semaphore_mem>>
    %dma_wait3A_379 = arith.constant 0 : i32
    %dma_wait3A_380 = tpu.memref_slice %arg4[%add3A_12, %dma_wait3A_379] : memref<131072x128xbf16, #tpu.memory_space<hbm>> -> memref<512x128xbf16, #tpu.memory_space<hbm>>
    %dma_wait3A_381 = arith.constant 0 : i32
    %dma_wait3A_382 = arith.constant 0 : i32
    %dma_wait3A_383 = tpu.memref_slice %arg6[%dma_wait3A_369, %dma_wait3A_381, %dma_wait3A_382] : memref<3x512x128xbf16, #tpu.memory_space<vmem>> -> memref<1x512x128xbf16, #tpu.memory_space<vmem>>
    %dma_wait3A_384 = tpu.memref_squeeze %dma_wait3A_383 : memref<1x512x128xbf16, #tpu.memory_space<vmem>> -> memref<512x128xbf16, #tpu.memory_space<vmem>>
    tpu.wait_dma2 semaphore(%dma_wait3A_378 : memref<!tpu.dma_semaphore, #tpu.memory_space<semaphore_mem>>) src(%dma_wait3A_384 : memref<512x128xbf16, #tpu.memory_space<vmem>>) dst(%dma_wait3A_380 : memref<512x128xbf16, #tpu.memory_space<hbm>>)
    %dma_start3A_385 = arith.constant 1 : i32
    %dma_start3A_386 = arith.constant 1 : i32
    %dma_start3A_387 = arith.constant 0 : i32
    %dma_start3A_388 = arith.constant 0 : i32
    %dma_start3A_389 = tpu.memref_slice %arg6[%dma_start3A_385, %dma_start3A_387, %dma_start3A_388] : memref<3x512x128xbf16, #tpu.memory_space<vmem>> -> memref<1x512x128xbf16, #tpu.memory_space<vmem>>
    %dma_start3A_390 = tpu.memref_squeeze %dma_start3A_389 : memref<1x512x128xbf16, #tpu.memory_space<vmem>> -> memref<512x128xbf16, #tpu.memory_space<vmem>>
    %dma_start3A_391 = arith.constant 0 : i32
    %dma_start3A_392 = tpu.memref_slice %arg2[%add3A_18, %dma_start3A_391] : memref<131072x128xbf16, #tpu.memory_space<hbm>> -> memref<512x128xbf16, #tpu.memory_space<hbm>>
    %dma_start3A_393 = tpu.memref_slice %arg7[%dma_start3A_386] : memref<3x!tpu.dma_semaphore, #tpu.memory_space<semaphore_mem>> -> memref<1x!tpu.dma_semaphore, #tpu.memory_space<semaphore_mem>>
    %dma_start3A_394 = tpu.memref_squeeze %dma_start3A_393 : memref<1x!tpu.dma_semaphore, #tpu.memory_space<semaphore_mem>> -> memref<!tpu.dma_semaphore, #tpu.memory_space<semaphore_mem>>
    %dma_start3A_395 = arith.constant 0 : i32
    %dma_start3A_396 = arith.constant 0 : i32
    %dma_start3A_397 = tpu.memref_slice %arg6[%dma_start3A_385, %dma_start3A_395, %dma_start3A_396] : memref<3x512x128xbf16, #tpu.memory_space<vmem>> -> memref<1x512x128xbf16, #tpu.memory_space<vmem>>
    %dma_start3A_398 = tpu.memref_squeeze %dma_start3A_397 : memref<1x512x128xbf16, #tpu.memory_space<vmem>> -> memref<512x128xbf16, #tpu.memory_space<vmem>>
    %dma_start3A_399 = arith.constant 0 : i32
    %dma_start3A_400 = tpu.memref_slice %arg2[%add3A_18, %dma_start3A_399] : memref<131072x128xbf16, #tpu.memory_space<hbm>> -> memref<512x128xbf16, #tpu.memory_space<hbm>>
    tpu.enqueue_dma source(%dma_start3A_400 : memref<512x128xbf16, #tpu.memory_space<hbm>>) target(%dma_start3A_398 : memref<512x128xbf16, #tpu.memory_space<vmem>>) target_semaphore(%dma_start3A_394 : memref<!tpu.dma_semaphore, #tpu.memory_space<semaphore_mem>>)
    %dma_wait3A_401 = arith.constant 2 : i32
    %dma_wait3A_402 = arith.constant 2 : i32
    %dma_wait3A_403 = arith.constant 0 : i32
    %dma_wait3A_404 = arith.constant 0 : i32
    %dma_wait3A_405 = tpu.memref_slice %arg6[%dma_wait3A_401, %dma_wait3A_403, %dma_wait3A_404] : memref<3x512x128xbf16, #tpu.memory_space<vmem>> -> memref<1x512x128xbf16, #tpu.memory_space<vmem>>
    %dma_wait3A_406 = tpu.memref_squeeze %dma_wait3A_405 : memref<1x512x128xbf16, #tpu.memory_space<vmem>> -> memref<512x128xbf16, #tpu.memory_space<vmem>>
    %dma_wait3A_407 = arith.constant 0 : i32
    %dma_wait3A_408 = tpu.memref_slice %arg2[%add3A_14, %dma_wait3A_407] : memref<131072x128xbf16, #tpu.memory_space<hbm>> -> memref<512x128xbf16, #tpu.memory_space<hbm>>
    %dma_wait3A_409 = tpu.memref_slice %arg7[%dma_wait3A_402] : memref<3x!tpu.dma_semaphore, #tpu.memory_space<semaphore_mem>> -> memref<1x!tpu.dma_semaphore, #tpu.memory_space<semaphore_mem>>
    %dma_wait3A_410 = tpu.memref_squeeze %dma_wait3A_409 : memref<1x!tpu.dma_semaphore, #tpu.memory_space<semaphore_mem>> -> memref<!tpu.dma_semaphore, #tpu.memory_space<semaphore_mem>>
    %dma_wait3A_411 = arith.constant 0 : i32
    %dma_wait3A_412 = arith.constant 0 : i32
    %dma_wait3A_413 = tpu.memref_slice %arg6[%dma_wait3A_401, %dma_wait3A_411, %dma_wait3A_412] : memref<3x512x128xbf16, #tpu.memory_space<vmem>> -> memref<1x512x128xbf16, #tpu.memory_space<vmem>>
    %dma_wait3A_414 = tpu.memref_squeeze %dma_wait3A_413 : memref<1x512x128xbf16, #tpu.memory_space<vmem>> -> memref<512x128xbf16, #tpu.memory_space<vmem>>
    %dma_wait3A_415 = arith.constant 0 : i32
    %dma_wait3A_416 = tpu.memref_slice %arg2[%add3A_14, %dma_wait3A_415] : memref<131072x128xbf16, #tpu.memory_space<hbm>> -> memref<512x128xbf16, #tpu.memory_space<hbm>>
    tpu.wait_dma2 semaphore(%dma_wait3A_410 : memref<!tpu.dma_semaphore, #tpu.memory_space<semaphore_mem>>) src(%dma_wait3A_416 : memref<512x128xbf16, #tpu.memory_space<hbm>>) dst(%dma_wait3A_414 : memref<512x128xbf16, #tpu.memory_space<vmem>>)
    %dma_start3A_417 = arith.constant 2 : i32
    %dma_start3A_418 = arith.constant 2 : i32
    %dma_start3A_419 = arith.constant 0 : i32
    %dma_start3A_420 = arith.constant 0 : i32
    %dma_start3A_421 = tpu.memref_slice %arg6[%dma_start3A_417, %dma_start3A_419, %dma_start3A_420] : memref<3x512x128xbf16, #tpu.memory_space<vmem>> -> memref<1x512x128xbf16, #tpu.memory_space<vmem>>
    %dma_start3A_422 = tpu.memref_squeeze %dma_start3A_421 : memref<1x512x128xbf16, #tpu.memory_space<vmem>> -> memref<512x128xbf16, #tpu.memory_space<vmem>>
    %dma_start3A_423 = arith.constant 0 : i32
    %dma_start3A_424 = tpu.memref_slice %arg4[%add3A_14, %dma_start3A_423] : memref<131072x128xbf16, #tpu.memory_space<hbm>> -> memref<512x128xbf16, #tpu.memory_space<hbm>>
    %dma_start3A_425 = tpu.memref_slice %arg8[%dma_start3A_418] : memref<3x!tpu.dma_semaphore, #tpu.memory_space<semaphore_mem>> -> memref<1x!tpu.dma_semaphore, #tpu.memory_space<semaphore_mem>>
    %dma_start3A_426 = tpu.memref_squeeze %dma_start3A_425 : memref<1x!tpu.dma_semaphore, #tpu.memory_space<semaphore_mem>> -> memref<!tpu.dma_semaphore, #tpu.memory_space<semaphore_mem>>
    %dma_start3A_427 = arith.constant 0 : i32
    %dma_start3A_428 = tpu.memref_slice %arg4[%add3A_14, %dma_start3A_427] : memref<131072x128xbf16, #tpu.memory_space<hbm>> -> memref<512x128xbf16, #tpu.memory_space<hbm>>
    %dma_start3A_429 = arith.constant 0 : i32
    %dma_start3A_430 = arith.constant 0 : i32
    %dma_start3A_431 = tpu.memref_slice %arg6[%dma_start3A_417, %dma_start3A_429, %dma_start3A_430] : memref<3x512x128xbf16, #tpu.memory_space<vmem>> -> memref<1x512x128xbf16, #tpu.memory_space<vmem>>
    %dma_start3A_432 = tpu.memref_squeeze %dma_start3A_431 : memref<1x512x128xbf16, #tpu.memory_space<vmem>> -> memref<512x128xbf16, #tpu.memory_space<vmem>>
    tpu.enqueue_dma source(%dma_start3A_432 : memref<512x128xbf16, #tpu.memory_space<vmem>>) target(%dma_start3A_428 : memref<512x128xbf16, #tpu.memory_space<hbm>>) target_semaphore(%dma_start3A_426 : memref<!tpu.dma_semaphore, #tpu.memory_space<semaphore_mem>>)
    %dma_wait3A_433 = arith.constant 2 : i32
    %dma_wait3A_434 = arith.constant 2 : i32
    %dma_wait3A_435 = arith.constant 0 : i32
    %dma_wait3A_436 = arith.constant 0 : i32
    %dma_wait3A_437 = tpu.memref_slice %arg6[%dma_wait3A_433, %dma_wait3A_435, %dma_wait3A_436] : memref<3x512x128xbf16, #tpu.memory_space<vmem>> -> memref<1x512x128xbf16, #tpu.memory_space<vmem>>
    %dma_wait3A_438 = tpu.memref_squeeze %dma_wait3A_437 : memref<1x512x128xbf16, #tpu.memory_space<vmem>> -> memref<512x128xbf16, #tpu.memory_space<vmem>>
    %dma_wait3A_439 = arith.constant 0 : i32
    %dma_wait3A_440 = tpu.memref_slice %arg4[%add3A_14, %dma_wait3A_439] : memref<131072x128xbf16, #tpu.memory_space<hbm>> -> memref<512x128xbf16, #tpu.memory_space<hbm>>
    %dma_wait3A_441 = tpu.memref_slice %arg8[%dma_wait3A_434] : memref<3x!tpu.dma_semaphore, #tpu.memory_space<semaphore_mem>> -> memref<1x!tpu.dma_semaphore, #tpu.memory_space<semaphore_mem>>
    %dma_wait3A_442 = tpu.memref_squeeze %dma_wait3A_441 : memref<1x!tpu.dma_semaphore, #tpu.memory_space<semaphore_mem>> -> memref<!tpu.dma_semaphore, #tpu.memory_space<semaphore_mem>>
    %dma_wait3A_443 = arith.constant 0 : i32
    %dma_wait3A_444 = tpu.memref_slice %arg4[%add3A_14, %dma_wait3A_443] : memref<131072x128xbf16, #tpu.memory_space<hbm>> -> memref<512x128xbf16, #tpu.memory_space<hbm>>
    %dma_wait3A_445 = arith.constant 0 : i32
    %dma_wait3A_446 = arith.constant 0 : i32
    %dma_wait3A_447 = tpu.memref_slice %arg6[%dma_wait3A_433, %dma_wait3A_445, %dma_wait3A_446] : memref<3x512x128xbf16, #tpu.memory_space<vmem>> -> memref<1x512x128xbf16, #tpu.memory_space<vmem>>
    %dma_wait3A_448 = tpu.memref_squeeze %dma_wait3A_447 : memref<1x512x128xbf16, #tpu.memory_space<vmem>> -> memref<512x128xbf16, #tpu.memory_space<vmem>>
    tpu.wait_dma2 semaphore(%dma_wait3A_442 : memref<!tpu.dma_semaphore, #tpu.memory_space<semaphore_mem>>) src(%dma_wait3A_448 : memref<512x128xbf16, #tpu.memory_space<vmem>>) dst(%dma_wait3A_444 : memref<512x128xbf16, #tpu.memory_space<hbm>>)
    %dma_start3A_449 = arith.constant 2 : i32
    %dma_start3A_450 = arith.constant 2 : i32
    %dma_start3A_451 = arith.constant 0 : i32
    %dma_start3A_452 = arith.constant 0 : i32
    %dma_start3A_453 = tpu.memref_slice %arg6[%dma_start3A_449, %dma_start3A_451, %dma_start3A_452] : memref<3x512x128xbf16, #tpu.memory_space<vmem>> -> memref<1x512x128xbf16, #tpu.memory_space<vmem>>
    %dma_start3A_454 = tpu.memref_squeeze %dma_start3A_453 : memref<1x512x128xbf16, #tpu.memory_space<vmem>> -> memref<512x128xbf16, #tpu.memory_space<vmem>>
    %dma_start3A_455 = arith.constant 0 : i32
    %dma_start3A_456 = tpu.memref_slice %arg3[%add3A_20, %dma_start3A_455] : memref<131072x128xbf16, #tpu.memory_space<hbm>> -> memref<512x128xbf16, #tpu.memory_space<hbm>>
    %dma_start3A_457 = tpu.memref_slice %arg7[%dma_start3A_450] : memref<3x!tpu.dma_semaphore, #tpu.memory_space<semaphore_mem>> -> memref<1x!tpu.dma_semaphore, #tpu.memory_space<semaphore_mem>>
    %dma_start3A_458 = tpu.memref_squeeze %dma_start3A_457 : memref<1x!tpu.dma_semaphore, #tpu.memory_space<semaphore_mem>> -> memref<!tpu.dma_semaphore, #tpu.memory_space<semaphore_mem>>
    %dma_start3A_459 = arith.constant 0 : i32
    %dma_start3A_460 = arith.constant 0 : i32
    %dma_start3A_461 = tpu.memref_slice %arg6[%dma_start3A_449, %dma_start3A_459, %dma_start3A_460] : memref<3x512x128xbf16, #tpu.memory_space<vmem>> -> memref<1x512x128xbf16, #tpu.memory_space<vmem>>
    %dma_start3A_462 = tpu.memref_squeeze %dma_start3A_461 : memref<1x512x128xbf16, #tpu.memory_space<vmem>> -> memref<512x128xbf16, #tpu.memory_space<vmem>>
    %dma_start3A_463 = arith.constant 0 : i32
    %dma_start3A_464 = tpu.memref_slice %arg3[%add3A_20, %dma_start3A_463] : memref<131072x128xbf16, #tpu.memory_space<hbm>> -> memref<512x128xbf16, #tpu.memory_space<hbm>>
    tpu.enqueue_dma source(%dma_start3A_464 : memref<512x128xbf16, #tpu.memory_space<hbm>>) target(%dma_start3A_462 : memref<512x128xbf16, #tpu.memory_space<vmem>>) target_semaphore(%dma_start3A_458 : memref<!tpu.dma_semaphore, #tpu.memory_space<semaphore_mem>>)
    %dma_wait3A_465 = arith.constant 0 : i32
    %dma_wait3A_466 = arith.constant 0 : i32
    %dma_wait3A_467 = arith.constant 0 : i32
    %dma_wait3A_468 = arith.constant 0 : i32
    %dma_wait3A_469 = tpu.memref_slice %arg6[%dma_wait3A_465, %dma_wait3A_467, %dma_wait3A_468] : memref<3x512x128xbf16, #tpu.memory_space<vmem>> -> memref<1x512x128xbf16, #tpu.memory_space<vmem>>
    %dma_wait3A_470 = tpu.memref_squeeze %dma_wait3A_469 : memref<1x512x128xbf16, #tpu.memory_space<vmem>> -> memref<512x128xbf16, #tpu.memory_space<vmem>>
    %dma_wait3A_471 = arith.constant 0 : i32
    %dma_wait3A_472 = tpu.memref_slice %arg2[%add3A_16, %dma_wait3A_471] : memref<131072x128xbf16, #tpu.memory_space<hbm>> -> memref<512x128xbf16, #tpu.memory_space<hbm>>
    %dma_wait3A_473 = tpu.memref_slice %arg7[%dma_wait3A_466] : memref<3x!tpu.dma_semaphore, #tpu.memory_space<semaphore_mem>> -> memref<1x!tpu.dma_semaphore, #tpu.memory_space<semaphore_mem>>
    %dma_wait3A_474 = tpu.memref_squeeze %dma_wait3A_473 : memref<1x!tpu.dma_semaphore, #tpu.memory_space<semaphore_mem>> -> memref<!tpu.dma_semaphore, #tpu.memory_space<semaphore_mem>>
    %dma_wait3A_475 = arith.constant 0 : i32
    %dma_wait3A_476 = arith.constant 0 : i32
    %dma_wait3A_477 = tpu.memref_slice %arg6[%dma_wait3A_465, %dma_wait3A_475, %dma_wait3A_476] : memref<3x512x128xbf16, #tpu.memory_space<vmem>> -> memref<1x512x128xbf16, #tpu.memory_space<vmem>>
    %dma_wait3A_478 = tpu.memref_squeeze %dma_wait3A_477 : memref<1x512x128xbf16, #tpu.memory_space<vmem>> -> memref<512x128xbf16, #tpu.memory_space<vmem>>
    %dma_wait3A_479 = arith.constant 0 : i32
    %dma_wait3A_480 = tpu.memref_slice %arg2[%add3A_16, %dma_wait3A_479] : memref<131072x128xbf16, #tpu.memory_space<hbm>> -> memref<512x128xbf16, #tpu.memory_space<hbm>>
    tpu.wait_dma2 semaphore(%dma_wait3A_474 : memref<!tpu.dma_semaphore, #tpu.memory_space<semaphore_mem>>) src(%dma_wait3A_480 : memref<512x128xbf16, #tpu.memory_space<hbm>>) dst(%dma_wait3A_478 : memref<512x128xbf16, #tpu.memory_space<vmem>>)
    %dma_start3A_481 = arith.constant 0 : i32
    %dma_start3A_482 = arith.constant 0 : i32
    %dma_start3A_483 = arith.constant 0 : i32
    %dma_start3A_484 = arith.constant 0 : i32
    %dma_start3A_485 = tpu.memref_slice %arg6[%dma_start3A_481, %dma_start3A_483, %dma_start3A_484] : memref<3x512x128xbf16, #tpu.memory_space<vmem>> -> memref<1x512x128xbf16, #tpu.memory_space<vmem>>
    %dma_start3A_486 = tpu.memref_squeeze %dma_start3A_485 : memref<1x512x128xbf16, #tpu.memory_space<vmem>> -> memref<512x128xbf16, #tpu.memory_space<vmem>>
    %dma_start3A_487 = arith.constant 0 : i32
    %dma_start3A_488 = tpu.memref_slice %arg4[%add3A_16, %dma_start3A_487] : memref<131072x128xbf16, #tpu.memory_space<hbm>> -> memref<512x128xbf16, #tpu.memory_space<hbm>>
    %dma_start3A_489 = tpu.memref_slice %arg8[%dma_start3A_482] : memref<3x!tpu.dma_semaphore, #tpu.memory_space<semaphore_mem>> -> memref<1x!tpu.dma_semaphore, #tpu.memory_space<semaphore_mem>>
    %dma_start3A_490 = tpu.memref_squeeze %dma_start3A_489 : memref<1x!tpu.dma_semaphore, #tpu.memory_space<semaphore_mem>> -> memref<!tpu.dma_semaphore, #tpu.memory_space<semaphore_mem>>
    %dma_start3A_491 = arith.constant 0 : i32
    %dma_start3A_492 = tpu.memref_slice %arg4[%add3A_16, %dma_start3A_491] : memref<131072x128xbf16, #tpu.memory_space<hbm>> -> memref<512x128xbf16, #tpu.memory_space<hbm>>
    %dma_start3A_493 = arith.constant 0 : i32
    %dma_start3A_494 = arith.constant 0 : i32
    %dma_start3A_495 = tpu.memref_slice %arg6[%dma_start3A_481, %dma_start3A_493, %dma_start3A_494] : memref<3x512x128xbf16, #tpu.memory_space<vmem>> -> memref<1x512x128xbf16, #tpu.memory_space<vmem>>
    %dma_start3A_496 = tpu.memref_squeeze %dma_start3A_495 : memref<1x512x128xbf16, #tpu.memory_space<vmem>> -> memref<512x128xbf16, #tpu.memory_space<vmem>>
    tpu.enqueue_dma source(%dma_start3A_496 : memref<512x128xbf16, #tpu.memory_space<vmem>>) target(%dma_start3A_492 : memref<512x128xbf16, #tpu.memory_space<hbm>>) target_semaphore(%dma_start3A_490 : memref<!tpu.dma_semaphore, #tpu.memory_space<semaphore_mem>>)
    %dma_wait3A_497 = arith.constant 0 : i32
    %dma_wait3A_498 = arith.constant 0 : i32
    %dma_wait3A_499 = arith.constant 0 : i32
    %dma_wait3A_500 = arith.constant 0 : i32
    %dma_wait3A_501 = tpu.memref_slice %arg6[%dma_wait3A_497, %dma_wait3A_499, %dma_wait3A_500] : memref<3x512x128xbf16, #tpu.memory_space<vmem>> -> memref<1x512x128xbf16, #tpu.memory_space<vmem>>
    %dma_wait3A_502 = tpu.memref_squeeze %dma_wait3A_501 : memref<1x512x128xbf16, #tpu.memory_space<vmem>> -> memref<512x128xbf16, #tpu.memory_space<vmem>>
    %dma_wait3A_503 = arith.constant 0 : i32
    %dma_wait3A_504 = tpu.memref_slice %arg4[%add3A_16, %dma_wait3A_503] : memref<131072x128xbf16, #tpu.memory_space<hbm>> -> memref<512x128xbf16, #tpu.memory_space<hbm>>
    %dma_wait3A_505 = tpu.memref_slice %arg8[%dma_wait3A_498] : memref<3x!tpu.dma_semaphore, #tpu.memory_space<semaphore_mem>> -> memref<1x!tpu.dma_semaphore, #tpu.memory_space<semaphore_mem>>
    %dma_wait3A_506 = tpu.memref_squeeze %dma_wait3A_505 : memref<1x!tpu.dma_semaphore, #tpu.memory_space<semaphore_mem>> -> memref<!tpu.dma_semaphore, #tpu.memory_space<semaphore_mem>>
    %dma_wait3A_507 = arith.constant 0 : i32
    %dma_wait3A_508 = tpu.memref_slice %arg4[%add3A_16, %dma_wait3A_507] : memref<131072x128xbf16, #tpu.memory_space<hbm>> -> memref<512x128xbf16, #tpu.memory_space<hbm>>
    %dma_wait3A_509 = arith.constant 0 : i32
    %dma_wait3A_510 = arith.constant 0 : i32
    %dma_wait3A_511 = tpu.memref_slice %arg6[%dma_wait3A_497, %dma_wait3A_509, %dma_wait3A_510] : memref<3x512x128xbf16, #tpu.memory_space<vmem>> -> memref<1x512x128xbf16, #tpu.memory_space<vmem>>
    %dma_wait3A_512 = tpu.memref_squeeze %dma_wait3A_511 : memref<1x512x128xbf16, #tpu.memory_space<vmem>> -> memref<512x128xbf16, #tpu.memory_space<vmem>>
    tpu.wait_dma2 semaphore(%dma_wait3A_506 : memref<!tpu.dma_semaphore, #tpu.memory_space<semaphore_mem>>) src(%dma_wait3A_512 : memref<512x128xbf16, #tpu.memory_space<vmem>>) dst(%dma_wait3A_508 : memref<512x128xbf16, #tpu.memory_space<hbm>>)
    %dma_start3A_513 = arith.constant 0 : i32
    %dma_start3A_514 = arith.constant 0 : i32
    %dma_start3A_515 = arith.constant 0 : i32
    %dma_start3A_516 = arith.constant 0 : i32
    %dma_start3A_517 = tpu.memref_slice %arg6[%dma_start3A_513, %dma_start3A_515, %dma_start3A_516] : memref<3x512x128xbf16, #tpu.memory_space<vmem>> -> memref<1x512x128xbf16, #tpu.memory_space<vmem>>
    %dma_start3A_518 = tpu.memref_squeeze %dma_start3A_517 : memref<1x512x128xbf16, #tpu.memory_space<vmem>> -> memref<512x128xbf16, #tpu.memory_space<vmem>>
    %dma_start3A_519 = arith.constant 0 : i32
    %dma_start3A_520 = tpu.memref_slice %arg3[%add3A_22, %dma_start3A_519] : memref<131072x128xbf16, #tpu.memory_space<hbm>> -> memref<512x128xbf16, #tpu.memory_space<hbm>>
    %dma_start3A_521 = tpu.memref_slice %arg7[%dma_start3A_514] : memref<3x!tpu.dma_semaphore, #tpu.memory_space<semaphore_mem>> -> memref<1x!tpu.dma_semaphore, #tpu.memory_space<semaphore_mem>>
    %dma_start3A_522 = tpu.memref_squeeze %dma_start3A_521 : memref<1x!tpu.dma_semaphore, #tpu.memory_space<semaphore_mem>> -> memref<!tpu.dma_semaphore, #tpu.memory_space<semaphore_mem>>
    %dma_start3A_523 = arith.constant 0 : i32
    %dma_start3A_524 = arith.constant 0 : i32
    %dma_start3A_525 = tpu.memref_slice %arg6[%dma_start3A_513, %dma_start3A_523, %dma_start3A_524] : memref<3x512x128xbf16, #tpu.memory_space<vmem>> -> memref<1x512x128xbf16, #tpu.memory_space<vmem>>
    %dma_start3A_526 = tpu.memref_squeeze %dma_start3A_525 : memref<1x512x128xbf16, #tpu.memory_space<vmem>> -> memref<512x128xbf16, #tpu.memory_space<vmem>>
    %dma_start3A_527 = arith.constant 0 : i32
    %dma_start3A_528 = tpu.memref_slice %arg3[%add3A_22, %dma_start3A_527] : memref<131072x128xbf16, #tpu.memory_space<hbm>> -> memref<512x128xbf16, #tpu.memory_space<hbm>>
    tpu.enqueue_dma source(%dma_start3A_528 : memref<512x128xbf16, #tpu.memory_space<hbm>>) target(%dma_start3A_526 : memref<512x128xbf16, #tpu.memory_space<vmem>>) target_semaphore(%dma_start3A_522 : memref<!tpu.dma_semaphore, #tpu.memory_space<semaphore_mem>>)
    %dma_wait3A_529 = arith.constant 1 : i32
    %dma_wait3A_530 = arith.constant 1 : i32
    %dma_wait3A_531 = arith.constant 0 : i32
    %dma_wait3A_532 = arith.constant 0 : i32
    %dma_wait3A_533 = tpu.memref_slice %arg6[%dma_wait3A_529, %dma_wait3A_531, %dma_wait3A_532] : memref<3x512x128xbf16, #tpu.memory_space<vmem>> -> memref<1x512x128xbf16, #tpu.memory_space<vmem>>
    %dma_wait3A_534 = tpu.memref_squeeze %dma_wait3A_533 : memref<1x512x128xbf16, #tpu.memory_space<vmem>> -> memref<512x128xbf16, #tpu.memory_space<vmem>>
    %dma_wait3A_535 = arith.constant 0 : i32
    %dma_wait3A_536 = tpu.memref_slice %arg2[%add3A_18, %dma_wait3A_535] : memref<131072x128xbf16, #tpu.memory_space<hbm>> -> memref<512x128xbf16, #tpu.memory_space<hbm>>
    %dma_wait3A_537 = tpu.memref_slice %arg7[%dma_wait3A_530] : memref<3x!tpu.dma_semaphore, #tpu.memory_space<semaphore_mem>> -> memref<1x!tpu.dma_semaphore, #tpu.memory_space<semaphore_mem>>
    %dma_wait3A_538 = tpu.memref_squeeze %dma_wait3A_537 : memref<1x!tpu.dma_semaphore, #tpu.memory_space<semaphore_mem>> -> memref<!tpu.dma_semaphore, #tpu.memory_space<semaphore_mem>>
    %dma_wait3A_539 = arith.constant 0 : i32
    %dma_wait3A_540 = arith.constant 0 : i32
    %dma_wait3A_541 = tpu.memref_slice %arg6[%dma_wait3A_529, %dma_wait3A_539, %dma_wait3A_540] : memref<3x512x128xbf16, #tpu.memory_space<vmem>> -> memref<1x512x128xbf16, #tpu.memory_space<vmem>>
    %dma_wait3A_542 = tpu.memref_squeeze %dma_wait3A_541 : memref<1x512x128xbf16, #tpu.memory_space<vmem>> -> memref<512x128xbf16, #tpu.memory_space<vmem>>
    %dma_wait3A_543 = arith.constant 0 : i32
    %dma_wait3A_544 = tpu.memref_slice %arg2[%add3A_18, %dma_wait3A_543] : memref<131072x128xbf16, #tpu.memory_space<hbm>> -> memref<512x128xbf16, #tpu.memory_space<hbm>>
    tpu.wait_dma2 semaphore(%dma_wait3A_538 : memref<!tpu.dma_semaphore, #tpu.memory_space<semaphore_mem>>) src(%dma_wait3A_544 : memref<512x128xbf16, #tpu.memory_space<hbm>>) dst(%dma_wait3A_542 : memref<512x128xbf16, #tpu.memory_space<vmem>>)
    %dma_start3A_545 = arith.constant 1 : i32
    %dma_start3A_546 = arith.constant 1 : i32
    %dma_start3A_547 = arith.constant 0 : i32
    %dma_start3A_548 = arith.constant 0 : i32
    %dma_start3A_549 = tpu.memref_slice %arg6[%dma_start3A_545, %dma_start3A_547, %dma_start3A_548] : memref<3x512x128xbf16, #tpu.memory_space<vmem>> -> memref<1x512x128xbf16, #tpu.memory_space<vmem>>
    %dma_start3A_550 = tpu.memref_squeeze %dma_start3A_549 : memref<1x512x128xbf16, #tpu.memory_space<vmem>> -> memref<512x128xbf16, #tpu.memory_space<vmem>>
    %dma_start3A_551 = arith.constant 0 : i32
    %dma_start3A_552 = tpu.memref_slice %arg4[%add3A_18, %dma_start3A_551] : memref<131072x128xbf16, #tpu.memory_space<hbm>> -> memref<512x128xbf16, #tpu.memory_space<hbm>>
    %dma_start3A_553 = tpu.memref_slice %arg8[%dma_start3A_546] : memref<3x!tpu.dma_semaphore, #tpu.memory_space<semaphore_mem>> -> memref<1x!tpu.dma_semaphore, #tpu.memory_space<semaphore_mem>>
    %dma_start3A_554 = tpu.memref_squeeze %dma_start3A_553 : memref<1x!tpu.dma_semaphore, #tpu.memory_space<semaphore_mem>> -> memref<!tpu.dma_semaphore, #tpu.memory_space<semaphore_mem>>
    %dma_start3A_555 = arith.constant 0 : i32
    %dma_start3A_556 = tpu.memref_slice %arg4[%add3A_18, %dma_start3A_555] : memref<131072x128xbf16, #tpu.memory_space<hbm>> -> memref<512x128xbf16, #tpu.memory_space<hbm>>
    %dma_start3A_557 = arith.constant 0 : i32
    %dma_start3A_558 = arith.constant 0 : i32
    %dma_start3A_559 = tpu.memref_slice %arg6[%dma_start3A_545, %dma_start3A_557, %dma_start3A_558] : memref<3x512x128xbf16, #tpu.memory_space<vmem>> -> memref<1x512x128xbf16, #tpu.memory_space<vmem>>
    %dma_start3A_560 = tpu.memref_squeeze %dma_start3A_559 : memref<1x512x128xbf16, #tpu.memory_space<vmem>> -> memref<512x128xbf16, #tpu.memory_space<vmem>>
    tpu.enqueue_dma source(%dma_start3A_560 : memref<512x128xbf16, #tpu.memory_space<vmem>>) target(%dma_start3A_556 : memref<512x128xbf16, #tpu.memory_space<hbm>>) target_semaphore(%dma_start3A_554 : memref<!tpu.dma_semaphore, #tpu.memory_space<semaphore_mem>>)
    %dma_wait3A_561 = arith.constant 1 : i32
    %dma_wait3A_562 = arith.constant 1 : i32
    %dma_wait3A_563 = arith.constant 0 : i32
    %dma_wait3A_564 = arith.constant 0 : i32
    %dma_wait3A_565 = tpu.memref_slice %arg6[%dma_wait3A_561, %dma_wait3A_563, %dma_wait3A_564] : memref<3x512x128xbf16, #tpu.memory_space<vmem>> -> memref<1x512x128xbf16, #tpu.memory_space<vmem>>
    %dma_wait3A_566 = tpu.memref_squeeze %dma_wait3A_565 : memref<1x512x128xbf16, #tpu.memory_space<vmem>> -> memref<512x128xbf16, #tpu.memory_space<vmem>>
    %dma_wait3A_567 = arith.constant 0 : i32
    %dma_wait3A_568 = tpu.memref_slice %arg4[%add3A_18, %dma_wait3A_567] : memref<131072x128xbf16, #tpu.memory_space<hbm>> -> memref<512x128xbf16, #tpu.memory_space<hbm>>
    %dma_wait3A_569 = tpu.memref_slice %arg8[%dma_wait3A_562] : memref<3x!tpu.dma_semaphore, #tpu.memory_space<semaphore_mem>> -> memref<1x!tpu.dma_semaphore, #tpu.memory_space<semaphore_mem>>
    %dma_wait3A_570 = tpu.memref_squeeze %dma_wait3A_569 : memref<1x!tpu.dma_semaphore, #tpu.memory_space<semaphore_mem>> -> memref<!tpu.dma_semaphore, #tpu.memory_space<semaphore_mem>>
    %dma_wait3A_571 = arith.constant 0 : i32
    %dma_wait3A_572 = tpu.memref_slice %arg4[%add3A_18, %dma_wait3A_571] : memref<131072x128xbf16, #tpu.memory_space<hbm>> -> memref<512x128xbf16, #tpu.memory_space<hbm>>
    %dma_wait3A_573 = arith.constant 0 : i32
    %dma_wait3A_574 = arith.constant 0 : i32
    %dma_wait3A_575 = tpu.memref_slice %arg6[%dma_wait3A_561, %dma_wait3A_573, %dma_wait3A_574] : memref<3x512x128xbf16, #tpu.memory_space<vmem>> -> memref<1x512x128xbf16, #tpu.memory_space<vmem>>
    %dma_wait3A_576 = tpu.memref_squeeze %dma_wait3A_575 : memref<1x512x128xbf16, #tpu.memory_space<vmem>> -> memref<512x128xbf16, #tpu.memory_space<vmem>>
    tpu.wait_dma2 semaphore(%dma_wait3A_570 : memref<!tpu.dma_semaphore, #tpu.memory_space<semaphore_mem>>) src(%dma_wait3A_576 : memref<512x128xbf16, #tpu.memory_space<vmem>>) dst(%dma_wait3A_572 : memref<512x128xbf16, #tpu.memory_space<hbm>>)
    %dma_start3A_577 = arith.constant 1 : i32
    %dma_start3A_578 = arith.constant 1 : i32
    %dma_start3A_579 = arith.constant 0 : i32
    %dma_start3A_580 = arith.constant 0 : i32
    %dma_start3A_581 = tpu.memref_slice %arg6[%dma_start3A_577, %dma_start3A_579, %dma_start3A_580] : memref<3x512x128xbf16, #tpu.memory_space<vmem>> -> memref<1x512x128xbf16, #tpu.memory_space<vmem>>
    %dma_start3A_582 = tpu.memref_squeeze %dma_start3A_581 : memref<1x512x128xbf16, #tpu.memory_space<vmem>> -> memref<512x128xbf16, #tpu.memory_space<vmem>>
    %dma_start3A_583 = arith.constant 0 : i32
    %dma_start3A_584 = tpu.memref_slice %arg3[%add3A_24, %dma_start3A_583] : memref<131072x128xbf16, #tpu.memory_space<hbm>> -> memref<512x128xbf16, #tpu.memory_space<hbm>>
    %dma_start3A_585 = tpu.memref_slice %arg7[%dma_start3A_578] : memref<3x!tpu.dma_semaphore, #tpu.memory_space<semaphore_mem>> -> memref<1x!tpu.dma_semaphore, #tpu.memory_space<semaphore_mem>>
    %dma_start3A_586 = tpu.memref_squeeze %dma_start3A_585 : memref<1x!tpu.dma_semaphore, #tpu.memory_space<semaphore_mem>> -> memref<!tpu.dma_semaphore, #tpu.memory_space<semaphore_mem>>
    %dma_start3A_587 = arith.constant 0 : i32
    %dma_start3A_588 = arith.constant 0 : i32
    %dma_start3A_589 = tpu.memref_slice %arg6[%dma_start3A_577, %dma_start3A_587, %dma_start3A_588] : memref<3x512x128xbf16, #tpu.memory_space<vmem>> -> memref<1x512x128xbf16, #tpu.memory_space<vmem>>
    %dma_start3A_590 = tpu.memref_squeeze %dma_start3A_589 : memref<1x512x128xbf16, #tpu.memory_space<vmem>> -> memref<512x128xbf16, #tpu.memory_space<vmem>>
    %dma_start3A_591 = arith.constant 0 : i32
    %dma_start3A_592 = tpu.memref_slice %arg3[%add3A_24, %dma_start3A_591] : memref<131072x128xbf16, #tpu.memory_space<hbm>> -> memref<512x128xbf16, #tpu.memory_space<hbm>>
    tpu.enqueue_dma source(%dma_start3A_592 : memref<512x128xbf16, #tpu.memory_space<hbm>>) target(%dma_start3A_590 : memref<512x128xbf16, #tpu.memory_space<vmem>>) target_semaphore(%dma_start3A_586 : memref<!tpu.dma_semaphore, #tpu.memory_space<semaphore_mem>>)
    %dma_wait3A_593 = arith.constant 2 : i32
    %dma_wait3A_594 = arith.constant 2 : i32
    %dma_wait3A_595 = arith.constant 0 : i32
    %dma_wait3A_596 = arith.constant 0 : i32
    %dma_wait3A_597 = tpu.memref_slice %arg6[%dma_wait3A_593, %dma_wait3A_595, %dma_wait3A_596] : memref<3x512x128xbf16, #tpu.memory_space<vmem>> -> memref<1x512x128xbf16, #tpu.memory_space<vmem>>
    %dma_wait3A_598 = tpu.memref_squeeze %dma_wait3A_597 : memref<1x512x128xbf16, #tpu.memory_space<vmem>> -> memref<512x128xbf16, #tpu.memory_space<vmem>>
    %dma_wait3A_599 = arith.constant 0 : i32
    %dma_wait3A_600 = tpu.memref_slice %arg3[%add3A_20, %dma_wait3A_599] : memref<131072x128xbf16, #tpu.memory_space<hbm>> -> memref<512x128xbf16, #tpu.memory_space<hbm>>
    %dma_wait3A_601 = tpu.memref_slice %arg7[%dma_wait3A_594] : memref<3x!tpu.dma_semaphore, #tpu.memory_space<semaphore_mem>> -> memref<1x!tpu.dma_semaphore, #tpu.memory_space<semaphore_mem>>
    %dma_wait3A_602 = tpu.memref_squeeze %dma_wait3A_601 : memref<1x!tpu.dma_semaphore, #tpu.memory_space<semaphore_mem>> -> memref<!tpu.dma_semaphore, #tpu.memory_space<semaphore_mem>>
    %dma_wait3A_603 = arith.constant 0 : i32
    %dma_wait3A_604 = arith.constant 0 : i32
    %dma_wait3A_605 = tpu.memref_slice %arg6[%dma_wait3A_593, %dma_wait3A_603, %dma_wait3A_604] : memref<3x512x128xbf16, #tpu.memory_space<vmem>> -> memref<1x512x128xbf16, #tpu.memory_space<vmem>>
    %dma_wait3A_606 = tpu.memref_squeeze %dma_wait3A_605 : memref<1x512x128xbf16, #tpu.memory_space<vmem>> -> memref<512x128xbf16, #tpu.memory_space<vmem>>
    %dma_wait3A_607 = arith.constant 0 : i32
    %dma_wait3A_608 = tpu.memref_slice %arg3[%add3A_20, %dma_wait3A_607] : memref<131072x128xbf16, #tpu.memory_space<hbm>> -> memref<512x128xbf16, #tpu.memory_space<hbm>>
    tpu.wait_dma2 semaphore(%dma_wait3A_602 : memref<!tpu.dma_semaphore, #tpu.memory_space<semaphore_mem>>) src(%dma_wait3A_608 : memref<512x128xbf16, #tpu.memory_space<hbm>>) dst(%dma_wait3A_606 : memref<512x128xbf16, #tpu.memory_space<vmem>>)
    %dma_start3A_609 = arith.constant 2 : i32
    %dma_start3A_610 = arith.constant 2 : i32
    %dma_start3A_611 = arith.constant 0 : i32
    %dma_start3A_612 = arith.constant 0 : i32
    %dma_start3A_613 = tpu.memref_slice %arg6[%dma_start3A_609, %dma_start3A_611, %dma_start3A_612] : memref<3x512x128xbf16, #tpu.memory_space<vmem>> -> memref<1x512x128xbf16, #tpu.memory_space<vmem>>
    %dma_start3A_614 = tpu.memref_squeeze %dma_start3A_613 : memref<1x512x128xbf16, #tpu.memory_space<vmem>> -> memref<512x128xbf16, #tpu.memory_space<vmem>>
    %dma_start3A_615 = arith.constant 0 : i32
    %dma_start3A_616 = tpu.memref_slice %arg5[%add3A_20, %dma_start3A_615] : memref<131072x128xbf16, #tpu.memory_space<hbm>> -> memref<512x128xbf16, #tpu.memory_space<hbm>>
    %dma_start3A_617 = tpu.memref_slice %arg8[%dma_start3A_610] : memref<3x!tpu.dma_semaphore, #tpu.memory_space<semaphore_mem>> -> memref<1x!tpu.dma_semaphore, #tpu.memory_space<semaphore_mem>>
    %dma_start3A_618 = tpu.memref_squeeze %dma_start3A_617 : memref<1x!tpu.dma_semaphore, #tpu.memory_space<semaphore_mem>> -> memref<!tpu.dma_semaphore, #tpu.memory_space<semaphore_mem>>
    %dma_start3A_619 = arith.constant 0 : i32
    %dma_start3A_620 = tpu.memref_slice %arg5[%add3A_20, %dma_start3A_619] : memref<131072x128xbf16, #tpu.memory_space<hbm>> -> memref<512x128xbf16, #tpu.memory_space<hbm>>
    %dma_start3A_621 = arith.constant 0 : i32
    %dma_start3A_622 = arith.constant 0 : i32
    %dma_start3A_623 = tpu.memref_slice %arg6[%dma_start3A_609, %dma_start3A_621, %dma_start3A_622] : memref<3x512x128xbf16, #tpu.memory_space<vmem>> -> memref<1x512x128xbf16, #tpu.memory_space<vmem>>
    %dma_start3A_624 = tpu.memref_squeeze %dma_start3A_623 : memref<1x512x128xbf16, #tpu.memory_space<vmem>> -> memref<512x128xbf16, #tpu.memory_space<vmem>>
    tpu.enqueue_dma source(%dma_start3A_624 : memref<512x128xbf16, #tpu.memory_space<vmem>>) target(%dma_start3A_620 : memref<512x128xbf16, #tpu.memory_space<hbm>>) target_semaphore(%dma_start3A_618 : memref<!tpu.dma_semaphore, #tpu.memory_space<semaphore_mem>>)
    %dma_wait3A_625 = arith.constant 2 : i32
    %dma_wait3A_626 = arith.constant 2 : i32
    %dma_wait3A_627 = arith.constant 0 : i32
    %dma_wait3A_628 = arith.constant 0 : i32
    %dma_wait3A_629 = tpu.memref_slice %arg6[%dma_wait3A_625, %dma_wait3A_627, %dma_wait3A_628] : memref<3x512x128xbf16, #tpu.memory_space<vmem>> -> memref<1x512x128xbf16, #tpu.memory_space<vmem>>
    %dma_wait3A_630 = tpu.memref_squeeze %dma_wait3A_629 : memref<1x512x128xbf16, #tpu.memory_space<vmem>> -> memref<512x128xbf16, #tpu.memory_space<vmem>>
    %dma_wait3A_631 = arith.constant 0 : i32
    %dma_wait3A_632 = tpu.memref_slice %arg5[%add3A_20, %dma_wait3A_631] : memref<131072x128xbf16, #tpu.memory_space<hbm>> -> memref<512x128xbf16, #tpu.memory_space<hbm>>
    %dma_wait3A_633 = tpu.memref_slice %arg8[%dma_wait3A_626] : memref<3x!tpu.dma_semaphore, #tpu.memory_space<semaphore_mem>> -> memref<1x!tpu.dma_semaphore, #tpu.memory_space<semaphore_mem>>
    %dma_wait3A_634 = tpu.memref_squeeze %dma_wait3A_633 : memref<1x!tpu.dma_semaphore, #tpu.memory_space<semaphore_mem>> -> memref<!tpu.dma_semaphore, #tpu.memory_space<semaphore_mem>>
    %dma_wait3A_635 = arith.constant 0 : i32
    %dma_wait3A_636 = tpu.memref_slice %arg5[%add3A_20, %dma_wait3A_635] : memref<131072x128xbf16, #tpu.memory_space<hbm>> -> memref<512x128xbf16, #tpu.memory_space<hbm>>
    %dma_wait3A_637 = arith.constant 0 : i32
    %dma_wait3A_638 = arith.constant 0 : i32
    %dma_wait3A_639 = tpu.memref_slice %arg6[%dma_wait3A_625, %dma_wait3A_637, %dma_wait3A_638] : memref<3x512x128xbf16, #tpu.memory_space<vmem>> -> memref<1x512x128xbf16, #tpu.memory_space<vmem>>
    %dma_wait3A_640 = tpu.memref_squeeze %dma_wait3A_639 : memref<1x512x128xbf16, #tpu.memory_space<vmem>> -> memref<512x128xbf16, #tpu.memory_space<vmem>>
    tpu.wait_dma2 semaphore(%dma_wait3A_634 : memref<!tpu.dma_semaphore, #tpu.memory_space<semaphore_mem>>) src(%dma_wait3A_640 : memref<512x128xbf16, #tpu.memory_space<vmem>>) dst(%dma_wait3A_636 : memref<512x128xbf16, #tpu.memory_space<hbm>>)
    %dma_start3A_641 = arith.constant 2 : i32
    %dma_start3A_642 = arith.constant 2 : i32
    %dma_start3A_643 = arith.constant 0 : i32
    %dma_start3A_644 = arith.constant 0 : i32
    %dma_start3A_645 = tpu.memref_slice %arg6[%dma_start3A_641, %dma_start3A_643, %dma_start3A_644] : memref<3x512x128xbf16, #tpu.memory_space<vmem>> -> memref<1x512x128xbf16, #tpu.memory_space<vmem>>
    %dma_start3A_646 = tpu.memref_squeeze %dma_start3A_645 : memref<1x512x128xbf16, #tpu.memory_space<vmem>> -> memref<512x128xbf16, #tpu.memory_space<vmem>>
    %dma_start3A_647 = arith.constant 0 : i32
    %dma_start3A_648 = tpu.memref_slice %arg3[%add3A_26, %dma_start3A_647] : memref<131072x128xbf16, #tpu.memory_space<hbm>> -> memref<512x128xbf16, #tpu.memory_space<hbm>>
    %dma_start3A_649 = tpu.memref_slice %arg7[%dma_start3A_642] : memref<3x!tpu.dma_semaphore, #tpu.memory_space<semaphore_mem>> -> memref<1x!tpu.dma_semaphore, #tpu.memory_space<semaphore_mem>>
    %dma_start3A_650 = tpu.memref_squeeze %dma_start3A_649 : memref<1x!tpu.dma_semaphore, #tpu.memory_space<semaphore_mem>> -> memref<!tpu.dma_semaphore, #tpu.memory_space<semaphore_mem>>
    %dma_start3A_651 = arith.constant 0 : i32
    %dma_start3A_652 = arith.constant 0 : i32
    %dma_start3A_653 = tpu.memref_slice %arg6[%dma_start3A_641, %dma_start3A_651, %dma_start3A_652] : memref<3x512x128xbf16, #tpu.memory_space<vmem>> -> memref<1x512x128xbf16, #tpu.memory_space<vmem>>
    %dma_start3A_654 = tpu.memref_squeeze %dma_start3A_653 : memref<1x512x128xbf16, #tpu.memory_space<vmem>> -> memref<512x128xbf16, #tpu.memory_space<vmem>>
    %dma_start3A_655 = arith.constant 0 : i32
    %dma_start3A_656 = tpu.memref_slice %arg3[%add3A_26, %dma_start3A_655] : memref<131072x128xbf16, #tpu.memory_space<hbm>> -> memref<512x128xbf16, #tpu.memory_space<hbm>>
    tpu.enqueue_dma source(%dma_start3A_656 : memref<512x128xbf16, #tpu.memory_space<hbm>>) target(%dma_start3A_654 : memref<512x128xbf16, #tpu.memory_space<vmem>>) target_semaphore(%dma_start3A_650 : memref<!tpu.dma_semaphore, #tpu.memory_space<semaphore_mem>>)
    %dma_wait3A_657 = arith.constant 0 : i32
    %dma_wait3A_658 = arith.constant 0 : i32
    %dma_wait3A_659 = arith.constant 0 : i32
    %dma_wait3A_660 = arith.constant 0 : i32
    %dma_wait3A_661 = tpu.memref_slice %arg6[%dma_wait3A_657, %dma_wait3A_659, %dma_wait3A_660] : memref<3x512x128xbf16, #tpu.memory_space<vmem>> -> memref<1x512x128xbf16, #tpu.memory_space<vmem>>
    %dma_wait3A_662 = tpu.memref_squeeze %dma_wait3A_661 : memref<1x512x128xbf16, #tpu.memory_space<vmem>> -> memref<512x128xbf16, #tpu.memory_space<vmem>>
    %dma_wait3A_663 = arith.constant 0 : i32
    %dma_wait3A_664 = tpu.memref_slice %arg3[%add3A_22, %dma_wait3A_663] : memref<131072x128xbf16, #tpu.memory_space<hbm>> -> memref<512x128xbf16, #tpu.memory_space<hbm>>
    %dma_wait3A_665 = tpu.memref_slice %arg7[%dma_wait3A_658] : memref<3x!tpu.dma_semaphore, #tpu.memory_space<semaphore_mem>> -> memref<1x!tpu.dma_semaphore, #tpu.memory_space<semaphore_mem>>
    %dma_wait3A_666 = tpu.memref_squeeze %dma_wait3A_665 : memref<1x!tpu.dma_semaphore, #tpu.memory_space<semaphore_mem>> -> memref<!tpu.dma_semaphore, #tpu.memory_space<semaphore_mem>>
    %dma_wait3A_667 = arith.constant 0 : i32
    %dma_wait3A_668 = arith.constant 0 : i32
    %dma_wait3A_669 = tpu.memref_slice %arg6[%dma_wait3A_657, %dma_wait3A_667, %dma_wait3A_668] : memref<3x512x128xbf16, #tpu.memory_space<vmem>> -> memref<1x512x128xbf16, #tpu.memory_space<vmem>>
    %dma_wait3A_670 = tpu.memref_squeeze %dma_wait3A_669 : memref<1x512x128xbf16, #tpu.memory_space<vmem>> -> memref<512x128xbf16, #tpu.memory_space<vmem>>
    %dma_wait3A_671 = arith.constant 0 : i32
    %dma_wait3A_672 = tpu.memref_slice %arg3[%add3A_22, %dma_wait3A_671] : memref<131072x128xbf16, #tpu.memory_space<hbm>> -> memref<512x128xbf16, #tpu.memory_space<hbm>>
    tpu.wait_dma2 semaphore(%dma_wait3A_666 : memref<!tpu.dma_semaphore, #tpu.memory_space<semaphore_mem>>) src(%dma_wait3A_672 : memref<512x128xbf16, #tpu.memory_space<hbm>>) dst(%dma_wait3A_670 : memref<512x128xbf16, #tpu.memory_space<vmem>>)
    %dma_start3A_673 = arith.constant 0 : i32
    %dma_start3A_674 = arith.constant 0 : i32
    %dma_start3A_675 = arith.constant 0 : i32
    %dma_start3A_676 = arith.constant 0 : i32
    %dma_start3A_677 = tpu.memref_slice %arg6[%dma_start3A_673, %dma_start3A_675, %dma_start3A_676] : memref<3x512x128xbf16, #tpu.memory_space<vmem>> -> memref<1x512x128xbf16, #tpu.memory_space<vmem>>
    %dma_start3A_678 = tpu.memref_squeeze %dma_start3A_677 : memref<1x512x128xbf16, #tpu.memory_space<vmem>> -> memref<512x128xbf16, #tpu.memory_space<vmem>>
    %dma_start3A_679 = arith.constant 0 : i32
    %dma_start3A_680 = tpu.memref_slice %arg5[%add3A_22, %dma_start3A_679] : memref<131072x128xbf16, #tpu.memory_space<hbm>> -> memref<512x128xbf16, #tpu.memory_space<hbm>>
    %dma_start3A_681 = tpu.memref_slice %arg8[%dma_start3A_674] : memref<3x!tpu.dma_semaphore, #tpu.memory_space<semaphore_mem>> -> memref<1x!tpu.dma_semaphore, #tpu.memory_space<semaphore_mem>>
    %dma_start3A_682 = tpu.memref_squeeze %dma_start3A_681 : memref<1x!tpu.dma_semaphore, #tpu.memory_space<semaphore_mem>> -> memref<!tpu.dma_semaphore, #tpu.memory_space<semaphore_mem>>
    %dma_start3A_683 = arith.constant 0 : i32
    %dma_start3A_684 = tpu.memref_slice %arg5[%add3A_22, %dma_start3A_683] : memref<131072x128xbf16, #tpu.memory_space<hbm>> -> memref<512x128xbf16, #tpu.memory_space<hbm>>
    %dma_start3A_685 = arith.constant 0 : i32
    %dma_start3A_686 = arith.constant 0 : i32
    %dma_start3A_687 = tpu.memref_slice %arg6[%dma_start3A_673, %dma_start3A_685, %dma_start3A_686] : memref<3x512x128xbf16, #tpu.memory_space<vmem>> -> memref<1x512x128xbf16, #tpu.memory_space<vmem>>
    %dma_start3A_688 = tpu.memref_squeeze %dma_start3A_687 : memref<1x512x128xbf16, #tpu.memory_space<vmem>> -> memref<512x128xbf16, #tpu.memory_space<vmem>>
    tpu.enqueue_dma source(%dma_start3A_688 : memref<512x128xbf16, #tpu.memory_space<vmem>>) target(%dma_start3A_684 : memref<512x128xbf16, #tpu.memory_space<hbm>>) target_semaphore(%dma_start3A_682 : memref<!tpu.dma_semaphore, #tpu.memory_space<semaphore_mem>>)
    %dma_wait3A_689 = arith.constant 0 : i32
    %dma_wait3A_690 = arith.constant 0 : i32
    %dma_wait3A_691 = arith.constant 0 : i32
    %dma_wait3A_692 = arith.constant 0 : i32
    %dma_wait3A_693 = tpu.memref_slice %arg6[%dma_wait3A_689, %dma_wait3A_691, %dma_wait3A_692] : memref<3x512x128xbf16, #tpu.memory_space<vmem>> -> memref<1x512x128xbf16, #tpu.memory_space<vmem>>
    %dma_wait3A_694 = tpu.memref_squeeze %dma_wait3A_693 : memref<1x512x128xbf16, #tpu.memory_space<vmem>> -> memref<512x128xbf16, #tpu.memory_space<vmem>>
    %dma_wait3A_695 = arith.constant 0 : i32
    %dma_wait3A_696 = tpu.memref_slice %arg5[%add3A_22, %dma_wait3A_695] : memref<131072x128xbf16, #tpu.memory_space<hbm>> -> memref<512x128xbf16, #tpu.memory_space<hbm>>
    %dma_wait3A_697 = tpu.memref_slice %arg8[%dma_wait3A_690] : memref<3x!tpu.dma_semaphore, #tpu.memory_space<semaphore_mem>> -> memref<1x!tpu.dma_semaphore, #tpu.memory_space<semaphore_mem>>
    %dma_wait3A_698 = tpu.memref_squeeze %dma_wait3A_697 : memref<1x!tpu.dma_semaphore, #tpu.memory_space<semaphore_mem>> -> memref<!tpu.dma_semaphore, #tpu.memory_space<semaphore_mem>>
    %dma_wait3A_699 = arith.constant 0 : i32
    %dma_wait3A_700 = tpu.memref_slice %arg5[%add3A_22, %dma_wait3A_699] : memref<131072x128xbf16, #tpu.memory_space<hbm>> -> memref<512x128xbf16, #tpu.memory_space<hbm>>
    %dma_wait3A_701 = arith.constant 0 : i32
    %dma_wait3A_702 = arith.constant 0 : i32
    %dma_wait3A_703 = tpu.memref_slice %arg6[%dma_wait3A_689, %dma_wait3A_701, %dma_wait3A_702] : memref<3x512x128xbf16, #tpu.memory_space<vmem>> -> memref<1x512x128xbf16, #tpu.memory_space<vmem>>
    %dma_wait3A_704 = tpu.memref_squeeze %dma_wait3A_703 : memref<1x512x128xbf16, #tpu.memory_space<vmem>> -> memref<512x128xbf16, #tpu.memory_space<vmem>>
    tpu.wait_dma2 semaphore(%dma_wait3A_698 : memref<!tpu.dma_semaphore, #tpu.memory_space<semaphore_mem>>) src(%dma_wait3A_704 : memref<512x128xbf16, #tpu.memory_space<vmem>>) dst(%dma_wait3A_700 : memref<512x128xbf16, #tpu.memory_space<hbm>>)
    %dma_start3A_705 = arith.constant 0 : i32
    %dma_start3A_706 = arith.constant 0 : i32
    %dma_start3A_707 = arith.constant 0 : i32
    %dma_start3A_708 = arith.constant 0 : i32
    %dma_start3A_709 = tpu.memref_slice %arg6[%dma_start3A_705, %dma_start3A_707, %dma_start3A_708] : memref<3x512x128xbf16, #tpu.memory_space<vmem>> -> memref<1x512x128xbf16, #tpu.memory_space<vmem>>
    %dma_start3A_710 = tpu.memref_squeeze %dma_start3A_709 : memref<1x512x128xbf16, #tpu.memory_space<vmem>> -> memref<512x128xbf16, #tpu.memory_space<vmem>>
    %dma_start3A_711 = arith.constant 0 : i32
    %dma_start3A_712 = tpu.memref_slice %arg3[%add3A_28, %dma_start3A_711] : memref<131072x128xbf16, #tpu.memory_space<hbm>> -> memref<512x128xbf16, #tpu.memory_space<hbm>>
    %dma_start3A_713 = tpu.memref_slice %arg7[%dma_start3A_706] : memref<3x!tpu.dma_semaphore, #tpu.memory_space<semaphore_mem>> -> memref<1x!tpu.dma_semaphore, #tpu.memory_space<semaphore_mem>>
    %dma_start3A_714 = tpu.memref_squeeze %dma_start3A_713 : memref<1x!tpu.dma_semaphore, #tpu.memory_space<semaphore_mem>> -> memref<!tpu.dma_semaphore, #tpu.memory_space<semaphore_mem>>
    %dma_start3A_715 = arith.constant 0 : i32
    %dma_start3A_716 = arith.constant 0 : i32
    %dma_start3A_717 = tpu.memref_slice %arg6[%dma_start3A_705, %dma_start3A_715, %dma_start3A_716] : memref<3x512x128xbf16, #tpu.memory_space<vmem>> -> memref<1x512x128xbf16, #tpu.memory_space<vmem>>
    %dma_start3A_718 = tpu.memref_squeeze %dma_start3A_717 : memref<1x512x128xbf16, #tpu.memory_space<vmem>> -> memref<512x128xbf16, #tpu.memory_space<vmem>>
    %dma_start3A_719 = arith.constant 0 : i32
    %dma_start3A_720 = tpu.memref_slice %arg3[%add3A_28, %dma_start3A_719] : memref<131072x128xbf16, #tpu.memory_space<hbm>> -> memref<512x128xbf16, #tpu.memory_space<hbm>>
    tpu.enqueue_dma source(%dma_start3A_720 : memref<512x128xbf16, #tpu.memory_space<hbm>>) target(%dma_start3A_718 : memref<512x128xbf16, #tpu.memory_space<vmem>>) target_semaphore(%dma_start3A_714 : memref<!tpu.dma_semaphore, #tpu.memory_space<semaphore_mem>>)
    %dma_wait3A_721 = arith.constant 1 : i32
    %dma_wait3A_722 = arith.constant 1 : i32
    %dma_wait3A_723 = arith.constant 0 : i32
    %dma_wait3A_724 = arith.constant 0 : i32
    %dma_wait3A_725 = tpu.memref_slice %arg6[%dma_wait3A_721, %dma_wait3A_723, %dma_wait3A_724] : memref<3x512x128xbf16, #tpu.memory_space<vmem>> -> memref<1x512x128xbf16, #tpu.memory_space<vmem>>
    %dma_wait3A_726 = tpu.memref_squeeze %dma_wait3A_725 : memref<1x512x128xbf16, #tpu.memory_space<vmem>> -> memref<512x128xbf16, #tpu.memory_space<vmem>>
    %dma_wait3A_727 = arith.constant 0 : i32
    %dma_wait3A_728 = tpu.memref_slice %arg3[%add3A_24, %dma_wait3A_727] : memref<131072x128xbf16, #tpu.memory_space<hbm>> -> memref<512x128xbf16, #tpu.memory_space<hbm>>
    %dma_wait3A_729 = tpu.memref_slice %arg7[%dma_wait3A_722] : memref<3x!tpu.dma_semaphore, #tpu.memory_space<semaphore_mem>> -> memref<1x!tpu.dma_semaphore, #tpu.memory_space<semaphore_mem>>
    %dma_wait3A_730 = tpu.memref_squeeze %dma_wait3A_729 : memref<1x!tpu.dma_semaphore, #tpu.memory_space<semaphore_mem>> -> memref<!tpu.dma_semaphore, #tpu.memory_space<semaphore_mem>>
    %dma_wait3A_731 = arith.constant 0 : i32
    %dma_wait3A_732 = arith.constant 0 : i32
    %dma_wait3A_733 = tpu.memref_slice %arg6[%dma_wait3A_721, %dma_wait3A_731, %dma_wait3A_732] : memref<3x512x128xbf16, #tpu.memory_space<vmem>> -> memref<1x512x128xbf16, #tpu.memory_space<vmem>>
    %dma_wait3A_734 = tpu.memref_squeeze %dma_wait3A_733 : memref<1x512x128xbf16, #tpu.memory_space<vmem>> -> memref<512x128xbf16, #tpu.memory_space<vmem>>
    %dma_wait3A_735 = arith.constant 0 : i32
    %dma_wait3A_736 = tpu.memref_slice %arg3[%add3A_24, %dma_wait3A_735] : memref<131072x128xbf16, #tpu.memory_space<hbm>> -> memref<512x128xbf16, #tpu.memory_space<hbm>>
    tpu.wait_dma2 semaphore(%dma_wait3A_730 : memref<!tpu.dma_semaphore, #tpu.memory_space<semaphore_mem>>) src(%dma_wait3A_736 : memref<512x128xbf16, #tpu.memory_space<hbm>>) dst(%dma_wait3A_734 : memref<512x128xbf16, #tpu.memory_space<vmem>>)
    %dma_start3A_737 = arith.constant 1 : i32
    %dma_start3A_738 = arith.constant 1 : i32
    %dma_start3A_739 = arith.constant 0 : i32
    %dma_start3A_740 = arith.constant 0 : i32
    %dma_start3A_741 = tpu.memref_slice %arg6[%dma_start3A_737, %dma_start3A_739, %dma_start3A_740] : memref<3x512x128xbf16, #tpu.memory_space<vmem>> -> memref<1x512x128xbf16, #tpu.memory_space<vmem>>
    %dma_start3A_742 = tpu.memref_squeeze %dma_start3A_741 : memref<1x512x128xbf16, #tpu.memory_space<vmem>> -> memref<512x128xbf16, #tpu.memory_space<vmem>>
    %dma_start3A_743 = arith.constant 0 : i32
    %dma_start3A_744 = tpu.memref_slice %arg5[%add3A_24, %dma_start3A_743] : memref<131072x128xbf16, #tpu.memory_space<hbm>> -> memref<512x128xbf16, #tpu.memory_space<hbm>>
    %dma_start3A_745 = tpu.memref_slice %arg8[%dma_start3A_738] : memref<3x!tpu.dma_semaphore, #tpu.memory_space<semaphore_mem>> -> memref<1x!tpu.dma_semaphore, #tpu.memory_space<semaphore_mem>>
    %dma_start3A_746 = tpu.memref_squeeze %dma_start3A_745 : memref<1x!tpu.dma_semaphore, #tpu.memory_space<semaphore_mem>> -> memref<!tpu.dma_semaphore, #tpu.memory_space<semaphore_mem>>
    %dma_start3A_747 = arith.constant 0 : i32
    %dma_start3A_748 = tpu.memref_slice %arg5[%add3A_24, %dma_start3A_747] : memref<131072x128xbf16, #tpu.memory_space<hbm>> -> memref<512x128xbf16, #tpu.memory_space<hbm>>
    %dma_start3A_749 = arith.constant 0 : i32
    %dma_start3A_750 = arith.constant 0 : i32
    %dma_start3A_751 = tpu.memref_slice %arg6[%dma_start3A_737, %dma_start3A_749, %dma_start3A_750] : memref<3x512x128xbf16, #tpu.memory_space<vmem>> -> memref<1x512x128xbf16, #tpu.memory_space<vmem>>
    %dma_start3A_752 = tpu.memref_squeeze %dma_start3A_751 : memref<1x512x128xbf16, #tpu.memory_space<vmem>> -> memref<512x128xbf16, #tpu.memory_space<vmem>>
    tpu.enqueue_dma source(%dma_start3A_752 : memref<512x128xbf16, #tpu.memory_space<vmem>>) target(%dma_start3A_748 : memref<512x128xbf16, #tpu.memory_space<hbm>>) target_semaphore(%dma_start3A_746 : memref<!tpu.dma_semaphore, #tpu.memory_space<semaphore_mem>>)
    %dma_wait3A_753 = arith.constant 1 : i32
    %dma_wait3A_754 = arith.constant 1 : i32
    %dma_wait3A_755 = arith.constant 0 : i32
    %dma_wait3A_756 = arith.constant 0 : i32
    %dma_wait3A_757 = tpu.memref_slice %arg6[%dma_wait3A_753, %dma_wait3A_755, %dma_wait3A_756] : memref<3x512x128xbf16, #tpu.memory_space<vmem>> -> memref<1x512x128xbf16, #tpu.memory_space<vmem>>
    %dma_wait3A_758 = tpu.memref_squeeze %dma_wait3A_757 : memref<1x512x128xbf16, #tpu.memory_space<vmem>> -> memref<512x128xbf16, #tpu.memory_space<vmem>>
    %dma_wait3A_759 = arith.constant 0 : i32
    %dma_wait3A_760 = tpu.memref_slice %arg5[%add3A_24, %dma_wait3A_759] : memref<131072x128xbf16, #tpu.memory_space<hbm>> -> memref<512x128xbf16, #tpu.memory_space<hbm>>
    %dma_wait3A_761 = tpu.memref_slice %arg8[%dma_wait3A_754] : memref<3x!tpu.dma_semaphore, #tpu.memory_space<semaphore_mem>> -> memref<1x!tpu.dma_semaphore, #tpu.memory_space<semaphore_mem>>
    %dma_wait3A_762 = tpu.memref_squeeze %dma_wait3A_761 : memref<1x!tpu.dma_semaphore, #tpu.memory_space<semaphore_mem>> -> memref<!tpu.dma_semaphore, #tpu.memory_space<semaphore_mem>>
    %dma_wait3A_763 = arith.constant 0 : i32
    %dma_wait3A_764 = tpu.memref_slice %arg5[%add3A_24, %dma_wait3A_763] : memref<131072x128xbf16, #tpu.memory_space<hbm>> -> memref<512x128xbf16, #tpu.memory_space<hbm>>
    %dma_wait3A_765 = arith.constant 0 : i32
    %dma_wait3A_766 = arith.constant 0 : i32
    %dma_wait3A_767 = tpu.memref_slice %arg6[%dma_wait3A_753, %dma_wait3A_765, %dma_wait3A_766] : memref<3x512x128xbf16, #tpu.memory_space<vmem>> -> memref<1x512x128xbf16, #tpu.memory_space<vmem>>
    %dma_wait3A_768 = tpu.memref_squeeze %dma_wait3A_767 : memref<1x512x128xbf16, #tpu.memory_space<vmem>> -> memref<512x128xbf16, #tpu.memory_space<vmem>>
    tpu.wait_dma2 semaphore(%dma_wait3A_762 : memref<!tpu.dma_semaphore, #tpu.memory_space<semaphore_mem>>) src(%dma_wait3A_768 : memref<512x128xbf16, #tpu.memory_space<vmem>>) dst(%dma_wait3A_764 : memref<512x128xbf16, #tpu.memory_space<hbm>>)
    %dma_start3A_769 = arith.constant 1 : i32
    %dma_start3A_770 = arith.constant 1 : i32
    %dma_start3A_771 = arith.constant 0 : i32
    %dma_start3A_772 = arith.constant 0 : i32
    %dma_start3A_773 = tpu.memref_slice %arg6[%dma_start3A_769, %dma_start3A_771, %dma_start3A_772] : memref<3x512x128xbf16, #tpu.memory_space<vmem>> -> memref<1x512x128xbf16, #tpu.memory_space<vmem>>
    %dma_start3A_774 = tpu.memref_squeeze %dma_start3A_773 : memref<1x512x128xbf16, #tpu.memory_space<vmem>> -> memref<512x128xbf16, #tpu.memory_space<vmem>>
    %dma_start3A_775 = arith.constant 0 : i32
    %dma_start3A_776 = tpu.memref_slice %arg3[%add3A_30, %dma_start3A_775] : memref<131072x128xbf16, #tpu.memory_space<hbm>> -> memref<512x128xbf16, #tpu.memory_space<hbm>>
    %dma_start3A_777 = tpu.memref_slice %arg7[%dma_start3A_770] : memref<3x!tpu.dma_semaphore, #tpu.memory_space<semaphore_mem>> -> memref<1x!tpu.dma_semaphore, #tpu.memory_space<semaphore_mem>>
    %dma_start3A_778 = tpu.memref_squeeze %dma_start3A_777 : memref<1x!tpu.dma_semaphore, #tpu.memory_space<semaphore_mem>> -> memref<!tpu.dma_semaphore, #tpu.memory_space<semaphore_mem>>
    %dma_start3A_779 = arith.constant 0 : i32
    %dma_start3A_780 = arith.constant 0 : i32
    %dma_start3A_781 = tpu.memref_slice %arg6[%dma_start3A_769, %dma_start3A_779, %dma_start3A_780] : memref<3x512x128xbf16, #tpu.memory_space<vmem>> -> memref<1x512x128xbf16, #tpu.memory_space<vmem>>
    %dma_start3A_782 = tpu.memref_squeeze %dma_start3A_781 : memref<1x512x128xbf16, #tpu.memory_space<vmem>> -> memref<512x128xbf16, #tpu.memory_space<vmem>>
    %dma_start3A_783 = arith.constant 0 : i32
    %dma_start3A_784 = tpu.memref_slice %arg3[%add3A_30, %dma_start3A_783] : memref<131072x128xbf16, #tpu.memory_space<hbm>> -> memref<512x128xbf16, #tpu.memory_space<hbm>>
    tpu.enqueue_dma source(%dma_start3A_784 : memref<512x128xbf16, #tpu.memory_space<hbm>>) target(%dma_start3A_782 : memref<512x128xbf16, #tpu.memory_space<vmem>>) target_semaphore(%dma_start3A_778 : memref<!tpu.dma_semaphore, #tpu.memory_space<semaphore_mem>>)
    %dma_wait3A_785 = arith.constant 2 : i32
    %dma_wait3A_786 = arith.constant 2 : i32
    %dma_wait3A_787 = arith.constant 0 : i32
    %dma_wait3A_788 = arith.constant 0 : i32
    %dma_wait3A_789 = tpu.memref_slice %arg6[%dma_wait3A_785, %dma_wait3A_787, %dma_wait3A_788] : memref<3x512x128xbf16, #tpu.memory_space<vmem>> -> memref<1x512x128xbf16, #tpu.memory_space<vmem>>
    %dma_wait3A_790 = tpu.memref_squeeze %dma_wait3A_789 : memref<1x512x128xbf16, #tpu.memory_space<vmem>> -> memref<512x128xbf16, #tpu.memory_space<vmem>>
    %dma_wait3A_791 = arith.constant 0 : i32
    %dma_wait3A_792 = tpu.memref_slice %arg3[%add3A_26, %dma_wait3A_791] : memref<131072x128xbf16, #tpu.memory_space<hbm>> -> memref<512x128xbf16, #tpu.memory_space<hbm>>
    %dma_wait3A_793 = tpu.memref_slice %arg7[%dma_wait3A_786] : memref<3x!tpu.dma_semaphore, #tpu.memory_space<semaphore_mem>> -> memref<1x!tpu.dma_semaphore, #tpu.memory_space<semaphore_mem>>
    %dma_wait3A_794 = tpu.memref_squeeze %dma_wait3A_793 : memref<1x!tpu.dma_semaphore, #tpu.memory_space<semaphore_mem>> -> memref<!tpu.dma_semaphore, #tpu.memory_space<semaphore_mem>>
    %dma_wait3A_795 = arith.constant 0 : i32
    %dma_wait3A_796 = arith.constant 0 : i32
    %dma_wait3A_797 = tpu.memref_slice %arg6[%dma_wait3A_785, %dma_wait3A_795, %dma_wait3A_796] : memref<3x512x128xbf16, #tpu.memory_space<vmem>> -> memref<1x512x128xbf16, #tpu.memory_space<vmem>>
    %dma_wait3A_798 = tpu.memref_squeeze %dma_wait3A_797 : memref<1x512x128xbf16, #tpu.memory_space<vmem>> -> memref<512x128xbf16, #tpu.memory_space<vmem>>
    %dma_wait3A_799 = arith.constant 0 : i32
    %dma_wait3A_800 = tpu.memref_slice %arg3[%add3A_26, %dma_wait3A_799] : memref<131072x128xbf16, #tpu.memory_space<hbm>> -> memref<512x128xbf16, #tpu.memory_space<hbm>>
    tpu.wait_dma2 semaphore(%dma_wait3A_794 : memref<!tpu.dma_semaphore, #tpu.memory_space<semaphore_mem>>) src(%dma_wait3A_800 : memref<512x128xbf16, #tpu.memory_space<hbm>>) dst(%dma_wait3A_798 : memref<512x128xbf16, #tpu.memory_space<vmem>>)
    %dma_start3A_801 = arith.constant 2 : i32
    %dma_start3A_802 = arith.constant 2 : i32
    %dma_start3A_803 = arith.constant 0 : i32
    %dma_start3A_804 = arith.constant 0 : i32
    %dma_start3A_805 = tpu.memref_slice %arg6[%dma_start3A_801, %dma_start3A_803, %dma_start3A_804] : memref<3x512x128xbf16, #tpu.memory_space<vmem>> -> memref<1x512x128xbf16, #tpu.memory_space<vmem>>
    %dma_start3A_806 = tpu.memref_squeeze %dma_start3A_805 : memref<1x512x128xbf16, #tpu.memory_space<vmem>> -> memref<512x128xbf16, #tpu.memory_space<vmem>>
    %dma_start3A_807 = arith.constant 0 : i32
    %dma_start3A_808 = tpu.memref_slice %arg5[%add3A_26, %dma_start3A_807] : memref<131072x128xbf16, #tpu.memory_space<hbm>> -> memref<512x128xbf16, #tpu.memory_space<hbm>>
    %dma_start3A_809 = tpu.memref_slice %arg8[%dma_start3A_802] : memref<3x!tpu.dma_semaphore, #tpu.memory_space<semaphore_mem>> -> memref<1x!tpu.dma_semaphore, #tpu.memory_space<semaphore_mem>>
    %dma_start3A_810 = tpu.memref_squeeze %dma_start3A_809 : memref<1x!tpu.dma_semaphore, #tpu.memory_space<semaphore_mem>> -> memref<!tpu.dma_semaphore, #tpu.memory_space<semaphore_mem>>
    %dma_start3A_811 = arith.constant 0 : i32
    %dma_start3A_812 = tpu.memref_slice %arg5[%add3A_26, %dma_start3A_811] : memref<131072x128xbf16, #tpu.memory_space<hbm>> -> memref<512x128xbf16, #tpu.memory_space<hbm>>
    %dma_start3A_813 = arith.constant 0 : i32
    %dma_start3A_814 = arith.constant 0 : i32
    %dma_start3A_815 = tpu.memref_slice %arg6[%dma_start3A_801, %dma_start3A_813, %dma_start3A_814] : memref<3x512x128xbf16, #tpu.memory_space<vmem>> -> memref<1x512x128xbf16, #tpu.memory_space<vmem>>
    %dma_start3A_816 = tpu.memref_squeeze %dma_start3A_815 : memref<1x512x128xbf16, #tpu.memory_space<vmem>> -> memref<512x128xbf16, #tpu.memory_space<vmem>>
    tpu.enqueue_dma source(%dma_start3A_816 : memref<512x128xbf16, #tpu.memory_space<vmem>>) target(%dma_start3A_812 : memref<512x128xbf16, #tpu.memory_space<hbm>>) target_semaphore(%dma_start3A_810 : memref<!tpu.dma_semaphore, #tpu.memory_space<semaphore_mem>>)
    %dma_wait3A_817 = arith.constant 2 : i32
    %dma_wait3A_818 = arith.constant 2 : i32
    %dma_wait3A_819 = arith.constant 0 : i32
    %dma_wait3A_820 = arith.constant 0 : i32
    %dma_wait3A_821 = tpu.memref_slice %arg6[%dma_wait3A_817, %dma_wait3A_819, %dma_wait3A_820] : memref<3x512x128xbf16, #tpu.memory_space<vmem>> -> memref<1x512x128xbf16, #tpu.memory_space<vmem>>
    %dma_wait3A_822 = tpu.memref_squeeze %dma_wait3A_821 : memref<1x512x128xbf16, #tpu.memory_space<vmem>> -> memref<512x128xbf16, #tpu.memory_space<vmem>>
    %dma_wait3A_823 = arith.constant 0 : i32
    %dma_wait3A_824 = tpu.memref_slice %arg5[%add3A_26, %dma_wait3A_823] : memref<131072x128xbf16, #tpu.memory_space<hbm>> -> memref<512x128xbf16, #tpu.memory_space<hbm>>
    %dma_wait3A_825 = tpu.memref_slice %arg8[%dma_wait3A_818] : memref<3x!tpu.dma_semaphore, #tpu.memory_space<semaphore_mem>> -> memref<1x!tpu.dma_semaphore, #tpu.memory_space<semaphore_mem>>
    %dma_wait3A_826 = tpu.memref_squeeze %dma_wait3A_825 : memref<1x!tpu.dma_semaphore, #tpu.memory_space<semaphore_mem>> -> memref<!tpu.dma_semaphore, #tpu.memory_space<semaphore_mem>>
    %dma_wait3A_827 = arith.constant 0 : i32
    %dma_wait3A_828 = tpu.memref_slice %arg5[%add3A_26, %dma_wait3A_827] : memref<131072x128xbf16, #tpu.memory_space<hbm>> -> memref<512x128xbf16, #tpu.memory_space<hbm>>
    %dma_wait3A_829 = arith.constant 0 : i32
    %dma_wait3A_830 = arith.constant 0 : i32
    %dma_wait3A_831 = tpu.memref_slice %arg6[%dma_wait3A_817, %dma_wait3A_829, %dma_wait3A_830] : memref<3x512x128xbf16, #tpu.memory_space<vmem>> -> memref<1x512x128xbf16, #tpu.memory_space<vmem>>
    %dma_wait3A_832 = tpu.memref_squeeze %dma_wait3A_831 : memref<1x512x128xbf16, #tpu.memory_space<vmem>> -> memref<512x128xbf16, #tpu.memory_space<vmem>>
    tpu.wait_dma2 semaphore(%dma_wait3A_826 : memref<!tpu.dma_semaphore, #tpu.memory_space<semaphore_mem>>) src(%dma_wait3A_832 : memref<512x128xbf16, #tpu.memory_space<vmem>>) dst(%dma_wait3A_828 : memref<512x128xbf16, #tpu.memory_space<hbm>>)
    %dma_start3A_833 = arith.constant 2 : i32
    %dma_start3A_834 = arith.constant 2 : i32
    %dma_start3A_835 = arith.constant 0 : i32
    %dma_start3A_836 = arith.constant 0 : i32
    %dma_start3A_837 = tpu.memref_slice %arg6[%dma_start3A_833, %dma_start3A_835, %dma_start3A_836] : memref<3x512x128xbf16, #tpu.memory_space<vmem>> -> memref<1x512x128xbf16, #tpu.memory_space<vmem>>
    %dma_start3A_838 = tpu.memref_squeeze %dma_start3A_837 : memref<1x512x128xbf16, #tpu.memory_space<vmem>> -> memref<512x128xbf16, #tpu.memory_space<vmem>>
    %dma_start3A_839 = arith.constant 0 : i32
    %dma_start3A_840 = tpu.memref_slice %arg3[%add3A_32, %dma_start3A_839] : memref<131072x128xbf16, #tpu.memory_space<hbm>> -> memref<512x128xbf16, #tpu.memory_space<hbm>>
    %dma_start3A_841 = tpu.memref_slice %arg7[%dma_start3A_834] : memref<3x!tpu.dma_semaphore, #tpu.memory_space<semaphore_mem>> -> memref<1x!tpu.dma_semaphore, #tpu.memory_space<semaphore_mem>>
    %dma_start3A_842 = tpu.memref_squeeze %dma_start3A_841 : memref<1x!tpu.dma_semaphore, #tpu.memory_space<semaphore_mem>> -> memref<!tpu.dma_semaphore, #tpu.memory_space<semaphore_mem>>
    %dma_start3A_843 = arith.constant 0 : i32
    %dma_start3A_844 = arith.constant 0 : i32
    %dma_start3A_845 = tpu.memref_slice %arg6[%dma_start3A_833, %dma_start3A_843, %dma_start3A_844] : memref<3x512x128xbf16, #tpu.memory_space<vmem>> -> memref<1x512x128xbf16, #tpu.memory_space<vmem>>
    %dma_start3A_846 = tpu.memref_squeeze %dma_start3A_845 : memref<1x512x128xbf16, #tpu.memory_space<vmem>> -> memref<512x128xbf16, #tpu.memory_space<vmem>>
    %dma_start3A_847 = arith.constant 0 : i32
    %dma_start3A_848 = tpu.memref_slice %arg3[%add3A_32, %dma_start3A_847] : memref<131072x128xbf16, #tpu.memory_space<hbm>> -> memref<512x128xbf16, #tpu.memory_space<hbm>>
    tpu.enqueue_dma source(%dma_start3A_848 : memref<512x128xbf16, #tpu.memory_space<hbm>>) target(%dma_start3A_846 : memref<512x128xbf16, #tpu.memory_space<vmem>>) target_semaphore(%dma_start3A_842 : memref<!tpu.dma_semaphore, #tpu.memory_space<semaphore_mem>>)
    %dma_wait3A_849 = arith.constant 0 : i32
    %dma_wait3A_850 = arith.constant 0 : i32
    %dma_wait3A_851 = arith.constant 0 : i32
    %dma_wait3A_852 = arith.constant 0 : i32
    %dma_wait3A_853 = tpu.memref_slice %arg6[%dma_wait3A_849, %dma_wait3A_851, %dma_wait3A_852] : memref<3x512x128xbf16, #tpu.memory_space<vmem>> -> memref<1x512x128xbf16, #tpu.memory_space<vmem>>
    %dma_wait3A_854 = tpu.memref_squeeze %dma_wait3A_853 : memref<1x512x128xbf16, #tpu.memory_space<vmem>> -> memref<512x128xbf16, #tpu.memory_space<vmem>>
    %dma_wait3A_855 = arith.constant 0 : i32
    %dma_wait3A_856 = tpu.memref_slice %arg3[%add3A_28, %dma_wait3A_855] : memref<131072x128xbf16, #tpu.memory_space<hbm>> -> memref<512x128xbf16, #tpu.memory_space<hbm>>
    %dma_wait3A_857 = tpu.memref_slice %arg7[%dma_wait3A_850] : memref<3x!tpu.dma_semaphore, #tpu.memory_space<semaphore_mem>> -> memref<1x!tpu.dma_semaphore, #tpu.memory_space<semaphore_mem>>
    %dma_wait3A_858 = tpu.memref_squeeze %dma_wait3A_857 : memref<1x!tpu.dma_semaphore, #tpu.memory_space<semaphore_mem>> -> memref<!tpu.dma_semaphore, #tpu.memory_space<semaphore_mem>>
    %dma_wait3A_859 = arith.constant 0 : i32
    %dma_wait3A_860 = arith.constant 0 : i32
    %dma_wait3A_861 = tpu.memref_slice %arg6[%dma_wait3A_849, %dma_wait3A_859, %dma_wait3A_860] : memref<3x512x128xbf16, #tpu.memory_space<vmem>> -> memref<1x512x128xbf16, #tpu.memory_space<vmem>>
    %dma_wait3A_862 = tpu.memref_squeeze %dma_wait3A_861 : memref<1x512x128xbf16, #tpu.memory_space<vmem>> -> memref<512x128xbf16, #tpu.memory_space<vmem>>
    %dma_wait3A_863 = arith.constant 0 : i32
    %dma_wait3A_864 = tpu.memref_slice %arg3[%add3A_28, %dma_wait3A_863] : memref<131072x128xbf16, #tpu.memory_space<hbm>> -> memref<512x128xbf16, #tpu.memory_space<hbm>>
    tpu.wait_dma2 semaphore(%dma_wait3A_858 : memref<!tpu.dma_semaphore, #tpu.memory_space<semaphore_mem>>) src(%dma_wait3A_864 : memref<512x128xbf16, #tpu.memory_space<hbm>>) dst(%dma_wait3A_862 : memref<512x128xbf16, #tpu.memory_space<vmem>>)
    %dma_start3A_865 = arith.constant 0 : i32
    %dma_start3A_866 = arith.constant 0 : i32
    %dma_start3A_867 = arith.constant 0 : i32
    %dma_start3A_868 = arith.constant 0 : i32
    %dma_start3A_869 = tpu.memref_slice %arg6[%dma_start3A_865, %dma_start3A_867, %dma_start3A_868] : memref<3x512x128xbf16, #tpu.memory_space<vmem>> -> memref<1x512x128xbf16, #tpu.memory_space<vmem>>
    %dma_start3A_870 = tpu.memref_squeeze %dma_start3A_869 : memref<1x512x128xbf16, #tpu.memory_space<vmem>> -> memref<512x128xbf16, #tpu.memory_space<vmem>>
    %dma_start3A_871 = arith.constant 0 : i32
    %dma_start3A_872 = tpu.memref_slice %arg5[%add3A_28, %dma_start3A_871] : memref<131072x128xbf16, #tpu.memory_space<hbm>> -> memref<512x128xbf16, #tpu.memory_space<hbm>>
    %dma_start3A_873 = tpu.memref_slice %arg8[%dma_start3A_866] : memref<3x!tpu.dma_semaphore, #tpu.memory_space<semaphore_mem>> -> memref<1x!tpu.dma_semaphore, #tpu.memory_space<semaphore_mem>>
    %dma_start3A_874 = tpu.memref_squeeze %dma_start3A_873 : memref<1x!tpu.dma_semaphore, #tpu.memory_space<semaphore_mem>> -> memref<!tpu.dma_semaphore, #tpu.memory_space<semaphore_mem>>
    %dma_start3A_875 = arith.constant 0 : i32
    %dma_start3A_876 = tpu.memref_slice %arg5[%add3A_28, %dma_start3A_875] : memref<131072x128xbf16, #tpu.memory_space<hbm>> -> memref<512x128xbf16, #tpu.memory_space<hbm>>
    %dma_start3A_877 = arith.constant 0 : i32
    %dma_start3A_878 = arith.constant 0 : i32
    %dma_start3A_879 = tpu.memref_slice %arg6[%dma_start3A_865, %dma_start3A_877, %dma_start3A_878] : memref<3x512x128xbf16, #tpu.memory_space<vmem>> -> memref<1x512x128xbf16, #tpu.memory_space<vmem>>
    %dma_start3A_880 = tpu.memref_squeeze %dma_start3A_879 : memref<1x512x128xbf16, #tpu.memory_space<vmem>> -> memref<512x128xbf16, #tpu.memory_space<vmem>>
    tpu.enqueue_dma source(%dma_start3A_880 : memref<512x128xbf16, #tpu.memory_space<vmem>>) target(%dma_start3A_876 : memref<512x128xbf16, #tpu.memory_space<hbm>>) target_semaphore(%dma_start3A_874 : memref<!tpu.dma_semaphore, #tpu.memory_space<semaphore_mem>>)
    %dma_wait3A_881 = arith.constant 0 : i32
    %dma_wait3A_882 = arith.constant 0 : i32
    %dma_wait3A_883 = arith.constant 0 : i32
    %dma_wait3A_884 = arith.constant 0 : i32
    %dma_wait3A_885 = tpu.memref_slice %arg6[%dma_wait3A_881, %dma_wait3A_883, %dma_wait3A_884] : memref<3x512x128xbf16, #tpu.memory_space<vmem>> -> memref<1x512x128xbf16, #tpu.memory_space<vmem>>
    %dma_wait3A_886 = tpu.memref_squeeze %dma_wait3A_885 : memref<1x512x128xbf16, #tpu.memory_space<vmem>> -> memref<512x128xbf16, #tpu.memory_space<vmem>>
    %dma_wait3A_887 = arith.constant 0 : i32
    %dma_wait3A_888 = tpu.memref_slice %arg5[%add3A_28, %dma_wait3A_887] : memref<131072x128xbf16, #tpu.memory_space<hbm>> -> memref<512x128xbf16, #tpu.memory_space<hbm>>
    %dma_wait3A_889 = tpu.memref_slice %arg8[%dma_wait3A_882] : memref<3x!tpu.dma_semaphore, #tpu.memory_space<semaphore_mem>> -> memref<1x!tpu.dma_semaphore, #tpu.memory_space<semaphore_mem>>
    %dma_wait3A_890 = tpu.memref_squeeze %dma_wait3A_889 : memref<1x!tpu.dma_semaphore, #tpu.memory_space<semaphore_mem>> -> memref<!tpu.dma_semaphore, #tpu.memory_space<semaphore_mem>>
    %dma_wait3A_891 = arith.constant 0 : i32
    %dma_wait3A_892 = tpu.memref_slice %arg5[%add3A_28, %dma_wait3A_891] : memref<131072x128xbf16, #tpu.memory_space<hbm>> -> memref<512x128xbf16, #tpu.memory_space<hbm>>
    %dma_wait3A_893 = arith.constant 0 : i32
    %dma_wait3A_894 = arith.constant 0 : i32
    %dma_wait3A_895 = tpu.memref_slice %arg6[%dma_wait3A_881, %dma_wait3A_893, %dma_wait3A_894] : memref<3x512x128xbf16, #tpu.memory_space<vmem>> -> memref<1x512x128xbf16, #tpu.memory_space<vmem>>
    %dma_wait3A_896 = tpu.memref_squeeze %dma_wait3A_895 : memref<1x512x128xbf16, #tpu.memory_space<vmem>> -> memref<512x128xbf16, #tpu.memory_space<vmem>>
    tpu.wait_dma2 semaphore(%dma_wait3A_890 : memref<!tpu.dma_semaphore, #tpu.memory_space<semaphore_mem>>) src(%dma_wait3A_896 : memref<512x128xbf16, #tpu.memory_space<vmem>>) dst(%dma_wait3A_892 : memref<512x128xbf16, #tpu.memory_space<hbm>>)
    %dma_start3A_897 = arith.constant 0 : i32
    %dma_start3A_898 = arith.constant 0 : i32
    %dma_start3A_899 = arith.constant 0 : i32
    %dma_start3A_900 = arith.constant 0 : i32
    %dma_start3A_901 = tpu.memref_slice %arg6[%dma_start3A_897, %dma_start3A_899, %dma_start3A_900] : memref<3x512x128xbf16, #tpu.memory_space<vmem>> -> memref<1x512x128xbf16, #tpu.memory_space<vmem>>
    %dma_start3A_902 = tpu.memref_squeeze %dma_start3A_901 : memref<1x512x128xbf16, #tpu.memory_space<vmem>> -> memref<512x128xbf16, #tpu.memory_space<vmem>>
    %dma_start3A_903 = arith.constant 0 : i32
    %dma_start3A_904 = tpu.memref_slice %arg3[%add3A_34, %dma_start3A_903] : memref<131072x128xbf16, #tpu.memory_space<hbm>> -> memref<512x128xbf16, #tpu.memory_space<hbm>>
    %dma_start3A_905 = tpu.memref_slice %arg7[%dma_start3A_898] : memref<3x!tpu.dma_semaphore, #tpu.memory_space<semaphore_mem>> -> memref<1x!tpu.dma_semaphore, #tpu.memory_space<semaphore_mem>>
    %dma_start3A_906 = tpu.memref_squeeze %dma_start3A_905 : memref<1x!tpu.dma_semaphore, #tpu.memory_space<semaphore_mem>> -> memref<!tpu.dma_semaphore, #tpu.memory_space<semaphore_mem>>
    %dma_start3A_907 = arith.constant 0 : i32
    %dma_start3A_908 = arith.constant 0 : i32
    %dma_start3A_909 = tpu.memref_slice %arg6[%dma_start3A_897, %dma_start3A_907, %dma_start3A_908] : memref<3x512x128xbf16, #tpu.memory_space<vmem>> -> memref<1x512x128xbf16, #tpu.memory_space<vmem>>
    %dma_start3A_910 = tpu.memref_squeeze %dma_start3A_909 : memref<1x512x128xbf16, #tpu.memory_space<vmem>> -> memref<512x128xbf16, #tpu.memory_space<vmem>>
    %dma_start3A_911 = arith.constant 0 : i32
    %dma_start3A_912 = tpu.memref_slice %arg3[%add3A_34, %dma_start3A_911] : memref<131072x128xbf16, #tpu.memory_space<hbm>> -> memref<512x128xbf16, #tpu.memory_space<hbm>>
    tpu.enqueue_dma source(%dma_start3A_912 : memref<512x128xbf16, #tpu.memory_space<hbm>>) target(%dma_start3A_910 : memref<512x128xbf16, #tpu.memory_space<vmem>>) target_semaphore(%dma_start3A_906 : memref<!tpu.dma_semaphore, #tpu.memory_space<semaphore_mem>>)
    %dma_wait3A_913 = arith.constant 1 : i32
    %dma_wait3A_914 = arith.constant 1 : i32
    %dma_wait3A_915 = arith.constant 0 : i32
    %dma_wait3A_916 = arith.constant 0 : i32
    %dma_wait3A_917 = tpu.memref_slice %arg6[%dma_wait3A_913, %dma_wait3A_915, %dma_wait3A_916] : memref<3x512x128xbf16, #tpu.memory_space<vmem>> -> memref<1x512x128xbf16, #tpu.memory_space<vmem>>
    %dma_wait3A_918 = tpu.memref_squeeze %dma_wait3A_917 : memref<1x512x128xbf16, #tpu.memory_space<vmem>> -> memref<512x128xbf16, #tpu.memory_space<vmem>>
    %dma_wait3A_919 = arith.constant 0 : i32
    %dma_wait3A_920 = tpu.memref_slice %arg3[%add3A_30, %dma_wait3A_919] : memref<131072x128xbf16, #tpu.memory_space<hbm>> -> memref<512x128xbf16, #tpu.memory_space<hbm>>
    %dma_wait3A_921 = tpu.memref_slice %arg7[%dma_wait3A_914] : memref<3x!tpu.dma_semaphore, #tpu.memory_space<semaphore_mem>> -> memref<1x!tpu.dma_semaphore, #tpu.memory_space<semaphore_mem>>
    %dma_wait3A_922 = tpu.memref_squeeze %dma_wait3A_921 : memref<1x!tpu.dma_semaphore, #tpu.memory_space<semaphore_mem>> -> memref<!tpu.dma_semaphore, #tpu.memory_space<semaphore_mem>>
    %dma_wait3A_923 = arith.constant 0 : i32
    %dma_wait3A_924 = arith.constant 0 : i32
    %dma_wait3A_925 = tpu.memref_slice %arg6[%dma_wait3A_913, %dma_wait3A_923, %dma_wait3A_924] : memref<3x512x128xbf16, #tpu.memory_space<vmem>> -> memref<1x512x128xbf16, #tpu.memory_space<vmem>>
    %dma_wait3A_926 = tpu.memref_squeeze %dma_wait3A_925 : memref<1x512x128xbf16, #tpu.memory_space<vmem>> -> memref<512x128xbf16, #tpu.memory_space<vmem>>
    %dma_wait3A_927 = arith.constant 0 : i32
    %dma_wait3A_928 = tpu.memref_slice %arg3[%add3A_30, %dma_wait3A_927] : memref<131072x128xbf16, #tpu.memory_space<hbm>> -> memref<512x128xbf16, #tpu.memory_space<hbm>>
    tpu.wait_dma2 semaphore(%dma_wait3A_922 : memref<!tpu.dma_semaphore, #tpu.memory_space<semaphore_mem>>) src(%dma_wait3A_928 : memref<512x128xbf16, #tpu.memory_space<hbm>>) dst(%dma_wait3A_926 : memref<512x128xbf16, #tpu.memory_space<vmem>>)
    %dma_start3A_929 = arith.constant 1 : i32
    %dma_start3A_930 = arith.constant 1 : i32
    %dma_start3A_931 = arith.constant 0 : i32
    %dma_start3A_932 = arith.constant 0 : i32
    %dma_start3A_933 = tpu.memref_slice %arg6[%dma_start3A_929, %dma_start3A_931, %dma_start3A_932] : memref<3x512x128xbf16, #tpu.memory_space<vmem>> -> memref<1x512x128xbf16, #tpu.memory_space<vmem>>
    %dma_start3A_934 = tpu.memref_squeeze %dma_start3A_933 : memref<1x512x128xbf16, #tpu.memory_space<vmem>> -> memref<512x128xbf16, #tpu.memory_space<vmem>>
    %dma_start3A_935 = arith.constant 0 : i32
    %dma_start3A_936 = tpu.memref_slice %arg5[%add3A_30, %dma_start3A_935] : memref<131072x128xbf16, #tpu.memory_space<hbm>> -> memref<512x128xbf16, #tpu.memory_space<hbm>>
    %dma_start3A_937 = tpu.memref_slice %arg8[%dma_start3A_930] : memref<3x!tpu.dma_semaphore, #tpu.memory_space<semaphore_mem>> -> memref<1x!tpu.dma_semaphore, #tpu.memory_space<semaphore_mem>>
    %dma_start3A_938 = tpu.memref_squeeze %dma_start3A_937 : memref<1x!tpu.dma_semaphore, #tpu.memory_space<semaphore_mem>> -> memref<!tpu.dma_semaphore, #tpu.memory_space<semaphore_mem>>
    %dma_start3A_939 = arith.constant 0 : i32
    %dma_start3A_940 = tpu.memref_slice %arg5[%add3A_30, %dma_start3A_939] : memref<131072x128xbf16, #tpu.memory_space<hbm>> -> memref<512x128xbf16, #tpu.memory_space<hbm>>
    %dma_start3A_941 = arith.constant 0 : i32
    %dma_start3A_942 = arith.constant 0 : i32
    %dma_start3A_943 = tpu.memref_slice %arg6[%dma_start3A_929, %dma_start3A_941, %dma_start3A_942] : memref<3x512x128xbf16, #tpu.memory_space<vmem>> -> memref<1x512x128xbf16, #tpu.memory_space<vmem>>
    %dma_start3A_944 = tpu.memref_squeeze %dma_start3A_943 : memref<1x512x128xbf16, #tpu.memory_space<vmem>> -> memref<512x128xbf16, #tpu.memory_space<vmem>>
    tpu.enqueue_dma source(%dma_start3A_944 : memref<512x128xbf16, #tpu.memory_space<vmem>>) target(%dma_start3A_940 : memref<512x128xbf16, #tpu.memory_space<hbm>>) target_semaphore(%dma_start3A_938 : memref<!tpu.dma_semaphore, #tpu.memory_space<semaphore_mem>>)
    %dma_wait3A_945 = arith.constant 2 : i32
    %dma_wait3A_946 = arith.constant 2 : i32
    %dma_wait3A_947 = arith.constant 0 : i32
    %dma_wait3A_948 = arith.constant 0 : i32
    %dma_wait3A_949 = tpu.memref_slice %arg6[%dma_wait3A_945, %dma_wait3A_947, %dma_wait3A_948] : memref<3x512x128xbf16, #tpu.memory_space<vmem>> -> memref<1x512x128xbf16, #tpu.memory_space<vmem>>
    %dma_wait3A_950 = tpu.memref_squeeze %dma_wait3A_949 : memref<1x512x128xbf16, #tpu.memory_space<vmem>> -> memref<512x128xbf16, #tpu.memory_space<vmem>>
    %dma_wait3A_951 = arith.constant 0 : i32
    %dma_wait3A_952 = tpu.memref_slice %arg3[%add3A_32, %dma_wait3A_951] : memref<131072x128xbf16, #tpu.memory_space<hbm>> -> memref<512x128xbf16, #tpu.memory_space<hbm>>
    %dma_wait3A_953 = tpu.memref_slice %arg7[%dma_wait3A_946] : memref<3x!tpu.dma_semaphore, #tpu.memory_space<semaphore_mem>> -> memref<1x!tpu.dma_semaphore, #tpu.memory_space<semaphore_mem>>
    %dma_wait3A_954 = tpu.memref_squeeze %dma_wait3A_953 : memref<1x!tpu.dma_semaphore, #tpu.memory_space<semaphore_mem>> -> memref<!tpu.dma_semaphore, #tpu.memory_space<semaphore_mem>>
    %dma_wait3A_955 = arith.constant 0 : i32
    %dma_wait3A_956 = arith.constant 0 : i32
    %dma_wait3A_957 = tpu.memref_slice %arg6[%dma_wait3A_945, %dma_wait3A_955, %dma_wait3A_956] : memref<3x512x128xbf16, #tpu.memory_space<vmem>> -> memref<1x512x128xbf16, #tpu.memory_space<vmem>>
    %dma_wait3A_958 = tpu.memref_squeeze %dma_wait3A_957 : memref<1x512x128xbf16, #tpu.memory_space<vmem>> -> memref<512x128xbf16, #tpu.memory_space<vmem>>
    %dma_wait3A_959 = arith.constant 0 : i32
    %dma_wait3A_960 = tpu.memref_slice %arg3[%add3A_32, %dma_wait3A_959] : memref<131072x128xbf16, #tpu.memory_space<hbm>> -> memref<512x128xbf16, #tpu.memory_space<hbm>>
    tpu.wait_dma2 semaphore(%dma_wait3A_954 : memref<!tpu.dma_semaphore, #tpu.memory_space<semaphore_mem>>) src(%dma_wait3A_960 : memref<512x128xbf16, #tpu.memory_space<hbm>>) dst(%dma_wait3A_958 : memref<512x128xbf16, #tpu.memory_space<vmem>>)
    %dma_start3A_961 = arith.constant 2 : i32
    %dma_start3A_962 = arith.constant 2 : i32
    %dma_start3A_963 = arith.constant 0 : i32
    %dma_start3A_964 = arith.constant 0 : i32
    %dma_start3A_965 = tpu.memref_slice %arg6[%dma_start3A_961, %dma_start3A_963, %dma_start3A_964] : memref<3x512x128xbf16, #tpu.memory_space<vmem>> -> memref<1x512x128xbf16, #tpu.memory_space<vmem>>
    %dma_start3A_966 = tpu.memref_squeeze %dma_start3A_965 : memref<1x512x128xbf16, #tpu.memory_space<vmem>> -> memref<512x128xbf16, #tpu.memory_space<vmem>>
    %dma_start3A_967 = arith.constant 0 : i32
    %dma_start3A_968 = tpu.memref_slice %arg5[%add3A_32, %dma_start3A_967] : memref<131072x128xbf16, #tpu.memory_space<hbm>> -> memref<512x128xbf16, #tpu.memory_space<hbm>>
    %dma_start3A_969 = tpu.memref_slice %arg8[%dma_start3A_962] : memref<3x!tpu.dma_semaphore, #tpu.memory_space<semaphore_mem>> -> memref<1x!tpu.dma_semaphore, #tpu.memory_space<semaphore_mem>>
    %dma_start3A_970 = tpu.memref_squeeze %dma_start3A_969 : memref<1x!tpu.dma_semaphore, #tpu.memory_space<semaphore_mem>> -> memref<!tpu.dma_semaphore, #tpu.memory_space<semaphore_mem>>
    %dma_start3A_971 = arith.constant 0 : i32
    %dma_start3A_972 = tpu.memref_slice %arg5[%add3A_32, %dma_start3A_971] : memref<131072x128xbf16, #tpu.memory_space<hbm>> -> memref<512x128xbf16, #tpu.memory_space<hbm>>
    %dma_start3A_973 = arith.constant 0 : i32
    %dma_start3A_974 = arith.constant 0 : i32
    %dma_start3A_975 = tpu.memref_slice %arg6[%dma_start3A_961, %dma_start3A_973, %dma_start3A_974] : memref<3x512x128xbf16, #tpu.memory_space<vmem>> -> memref<1x512x128xbf16, #tpu.memory_space<vmem>>
    %dma_start3A_976 = tpu.memref_squeeze %dma_start3A_975 : memref<1x512x128xbf16, #tpu.memory_space<vmem>> -> memref<512x128xbf16, #tpu.memory_space<vmem>>
    tpu.enqueue_dma source(%dma_start3A_976 : memref<512x128xbf16, #tpu.memory_space<vmem>>) target(%dma_start3A_972 : memref<512x128xbf16, #tpu.memory_space<hbm>>) target_semaphore(%dma_start3A_970 : memref<!tpu.dma_semaphore, #tpu.memory_space<semaphore_mem>>)
    %dma_wait3A_977 = arith.constant 0 : i32
    %dma_wait3A_978 = arith.constant 0 : i32
    %dma_wait3A_979 = arith.constant 0 : i32
    %dma_wait3A_980 = arith.constant 0 : i32
    %dma_wait3A_981 = tpu.memref_slice %arg6[%dma_wait3A_977, %dma_wait3A_979, %dma_wait3A_980] : memref<3x512x128xbf16, #tpu.memory_space<vmem>> -> memref<1x512x128xbf16, #tpu.memory_space<vmem>>
    %dma_wait3A_982 = tpu.memref_squeeze %dma_wait3A_981 : memref<1x512x128xbf16, #tpu.memory_space<vmem>> -> memref<512x128xbf16, #tpu.memory_space<vmem>>
    %dma_wait3A_983 = arith.constant 0 : i32
    %dma_wait3A_984 = tpu.memref_slice %arg3[%add3A_34, %dma_wait3A_983] : memref<131072x128xbf16, #tpu.memory_space<hbm>> -> memref<512x128xbf16, #tpu.memory_space<hbm>>
    %dma_wait3A_985 = tpu.memref_slice %arg7[%dma_wait3A_978] : memref<3x!tpu.dma_semaphore, #tpu.memory_space<semaphore_mem>> -> memref<1x!tpu.dma_semaphore, #tpu.memory_space<semaphore_mem>>
    %dma_wait3A_986 = tpu.memref_squeeze %dma_wait3A_985 : memref<1x!tpu.dma_semaphore, #tpu.memory_space<semaphore_mem>> -> memref<!tpu.dma_semaphore, #tpu.memory_space<semaphore_mem>>
    %dma_wait3A_987 = arith.constant 0 : i32
    %dma_wait3A_988 = arith.constant 0 : i32
    %dma_wait3A_989 = tpu.memref_slice %arg6[%dma_wait3A_977, %dma_wait3A_987, %dma_wait3A_988] : memref<3x512x128xbf16, #tpu.memory_space<vmem>> -> memref<1x512x128xbf16, #tpu.memory_space<vmem>>
    %dma_wait3A_990 = tpu.memref_squeeze %dma_wait3A_989 : memref<1x512x128xbf16, #tpu.memory_space<vmem>> -> memref<512x128xbf16, #tpu.memory_space<vmem>>
    %dma_wait3A_991 = arith.constant 0 : i32
    %dma_wait3A_992 = tpu.memref_slice %arg3[%add3A_34, %dma_wait3A_991] : memref<131072x128xbf16, #tpu.memory_space<hbm>> -> memref<512x128xbf16, #tpu.memory_space<hbm>>
    tpu.wait_dma2 semaphore(%dma_wait3A_986 : memref<!tpu.dma_semaphore, #tpu.memory_space<semaphore_mem>>) src(%dma_wait3A_992 : memref<512x128xbf16, #tpu.memory_space<hbm>>) dst(%dma_wait3A_990 : memref<512x128xbf16, #tpu.memory_space<vmem>>)
    %dma_start3A_993 = arith.constant 0 : i32
    %dma_start3A_994 = arith.constant 0 : i32
    %dma_start3A_995 = arith.constant 0 : i32
    %dma_start3A_996 = arith.constant 0 : i32
    %dma_start3A_997 = tpu.memref_slice %arg6[%dma_start3A_993, %dma_start3A_995, %dma_start3A_996] : memref<3x512x128xbf16, #tpu.memory_space<vmem>> -> memref<1x512x128xbf16, #tpu.memory_space<vmem>>
    %dma_start3A_998 = tpu.memref_squeeze %dma_start3A_997 : memref<1x512x128xbf16, #tpu.memory_space<vmem>> -> memref<512x128xbf16, #tpu.memory_space<vmem>>
    %dma_start3A_999 = arith.constant 0 : i32
    %dma_start3A_1000 = tpu.memref_slice %arg5[%add3A_34, %dma_start3A_999] : memref<131072x128xbf16, #tpu.memory_space<hbm>> -> memref<512x128xbf16, #tpu.memory_space<hbm>>
    %dma_start3A_1001 = tpu.memref_slice %arg8[%dma_start3A_994] : memref<3x!tpu.dma_semaphore, #tpu.memory_space<semaphore_mem>> -> memref<1x!tpu.dma_semaphore, #tpu.memory_space<semaphore_mem>>
    %dma_start3A_1002 = tpu.memref_squeeze %dma_start3A_1001 : memref<1x!tpu.dma_semaphore, #tpu.memory_space<semaphore_mem>> -> memref<!tpu.dma_semaphore, #tpu.memory_space<semaphore_mem>>
    %dma_start3A_1003 = arith.constant 0 : i32
    %dma_start3A_1004 = tpu.memref_slice %arg5[%add3A_34, %dma_start3A_1003] : memref<131072x128xbf16, #tpu.memory_space<hbm>> -> memref<512x128xbf16, #tpu.memory_space<hbm>>
    %dma_start3A_1005 = arith.constant 0 : i32
    %dma_start3A_1006 = arith.constant 0 : i32
    %dma_start3A_1007 = tpu.memref_slice %arg6[%dma_start3A_993, %dma_start3A_1005, %dma_start3A_1006] : memref<3x512x128xbf16, #tpu.memory_space<vmem>> -> memref<1x512x128xbf16, #tpu.memory_space<vmem>>
    %dma_start3A_1008 = tpu.memref_squeeze %dma_start3A_1007 : memref<1x512x128xbf16, #tpu.memory_space<vmem>> -> memref<512x128xbf16, #tpu.memory_space<vmem>>
    tpu.enqueue_dma source(%dma_start3A_1008 : memref<512x128xbf16, #tpu.memory_space<vmem>>) target(%dma_start3A_1004 : memref<512x128xbf16, #tpu.memory_space<hbm>>) target_semaphore(%dma_start3A_1002 : memref<!tpu.dma_semaphore, #tpu.memory_space<semaphore_mem>>)
    %dma_wait3A_1009 = arith.constant 1 : i32
    %dma_wait3A_1010 = arith.constant 1 : i32
    %dma_wait3A_1011 = arith.constant 0 : i32
    %dma_wait3A_1012 = arith.constant 0 : i32
    %dma_wait3A_1013 = tpu.memref_slice %arg6[%dma_wait3A_1009, %dma_wait3A_1011, %dma_wait3A_1012] : memref<3x512x128xbf16, #tpu.memory_space<vmem>> -> memref<1x512x128xbf16, #tpu.memory_space<vmem>>
    %dma_wait3A_1014 = tpu.memref_squeeze %dma_wait3A_1013 : memref<1x512x128xbf16, #tpu.memory_space<vmem>> -> memref<512x128xbf16, #tpu.memory_space<vmem>>
    %dma_wait3A_1015 = arith.constant 0 : i32
    %dma_wait3A_1016 = tpu.memref_slice %arg5[%add3A_30, %dma_wait3A_1015] : memref<131072x128xbf16, #tpu.memory_space<hbm>> -> memref<512x128xbf16, #tpu.memory_space<hbm>>
    %dma_wait3A_1017 = tpu.memref_slice %arg8[%dma_wait3A_1010] : memref<3x!tpu.dma_semaphore, #tpu.memory_space<semaphore_mem>> -> memref<1x!tpu.dma_semaphore, #tpu.memory_space<semaphore_mem>>
    %dma_wait3A_1018 = tpu.memref_squeeze %dma_wait3A_1017 : memref<1x!tpu.dma_semaphore, #tpu.memory_space<semaphore_mem>> -> memref<!tpu.dma_semaphore, #tpu.memory_space<semaphore_mem>>
    %dma_wait3A_1019 = arith.constant 0 : i32
    %dma_wait3A_1020 = tpu.memref_slice %arg5[%add3A_30, %dma_wait3A_1019] : memref<131072x128xbf16, #tpu.memory_space<hbm>> -> memref<512x128xbf16, #tpu.memory_space<hbm>>
    %dma_wait3A_1021 = arith.constant 0 : i32
    %dma_wait3A_1022 = arith.constant 0 : i32
    %dma_wait3A_1023 = tpu.memref_slice %arg6[%dma_wait3A_1009, %dma_wait3A_1021, %dma_wait3A_1022] : memref<3x512x128xbf16, #tpu.memory_space<vmem>> -> memref<1x512x128xbf16, #tpu.memory_space<vmem>>
    %dma_wait3A_1024 = tpu.memref_squeeze %dma_wait3A_1023 : memref<1x512x128xbf16, #tpu.memory_space<vmem>> -> memref<512x128xbf16, #tpu.memory_space<vmem>>
    tpu.wait_dma2 semaphore(%dma_wait3A_1018 : memref<!tpu.dma_semaphore, #tpu.memory_space<semaphore_mem>>) src(%dma_wait3A_1024 : memref<512x128xbf16, #tpu.memory_space<vmem>>) dst(%dma_wait3A_1020 : memref<512x128xbf16, #tpu.memory_space<hbm>>)
    %dma_wait3A_1025 = arith.constant 2 : i32
    %dma_wait3A_1026 = arith.constant 2 : i32
    %dma_wait3A_1027 = arith.constant 0 : i32
    %dma_wait3A_1028 = arith.constant 0 : i32
    %dma_wait3A_1029 = tpu.memref_slice %arg6[%dma_wait3A_1025, %dma_wait3A_1027, %dma_wait3A_1028] : memref<3x512x128xbf16, #tpu.memory_space<vmem>> -> memref<1x512x128xbf16, #tpu.memory_space<vmem>>
    %dma_wait3A_1030 = tpu.memref_squeeze %dma_wait3A_1029 : memref<1x512x128xbf16, #tpu.memory_space<vmem>> -> memref<512x128xbf16, #tpu.memory_space<vmem>>
    %dma_wait3A_1031 = arith.constant 0 : i32
    %dma_wait3A_1032 = tpu.memref_slice %arg5[%add3A_32, %dma_wait3A_1031] : memref<131072x128xbf16, #tpu.memory_space<hbm>> -> memref<512x128xbf16, #tpu.memory_space<hbm>>
    %dma_wait3A_1033 = tpu.memref_slice %arg8[%dma_wait3A_1026] : memref<3x!tpu.dma_semaphore, #tpu.memory_space<semaphore_mem>> -> memref<1x!tpu.dma_semaphore, #tpu.memory_space<semaphore_mem>>
    %dma_wait3A_1034 = tpu.memref_squeeze %dma_wait3A_1033 : memref<1x!tpu.dma_semaphore, #tpu.memory_space<semaphore_mem>> -> memref<!tpu.dma_semaphore, #tpu.memory_space<semaphore_mem>>
    %dma_wait3A_1035 = arith.constant 0 : i32
    %dma_wait3A_1036 = tpu.memref_slice %arg5[%add3A_32, %dma_wait3A_1035] : memref<131072x128xbf16, #tpu.memory_space<hbm>> -> memref<512x128xbf16, #tpu.memory_space<hbm>>
    %dma_wait3A_1037 = arith.constant 0 : i32
    %dma_wait3A_1038 = arith.constant 0 : i32
    %dma_wait3A_1039 = tpu.memref_slice %arg6[%dma_wait3A_1025, %dma_wait3A_1037, %dma_wait3A_1038] : memref<3x512x128xbf16, #tpu.memory_space<vmem>> -> memref<1x512x128xbf16, #tpu.memory_space<vmem>>
    %dma_wait3A_1040 = tpu.memref_squeeze %dma_wait3A_1039 : memref<1x512x128xbf16, #tpu.memory_space<vmem>> -> memref<512x128xbf16, #tpu.memory_space<vmem>>
    tpu.wait_dma2 semaphore(%dma_wait3A_1034 : memref<!tpu.dma_semaphore, #tpu.memory_space<semaphore_mem>>) src(%dma_wait3A_1040 : memref<512x128xbf16, #tpu.memory_space<vmem>>) dst(%dma_wait3A_1036 : memref<512x128xbf16, #tpu.memory_space<hbm>>)
    %dma_wait3A_1041 = arith.constant 0 : i32
    %dma_wait3A_1042 = arith.constant 0 : i32
    %dma_wait3A_1043 = arith.constant 0 : i32
    %dma_wait3A_1044 = arith.constant 0 : i32
    %dma_wait3A_1045 = tpu.memref_slice %arg6[%dma_wait3A_1041, %dma_wait3A_1043, %dma_wait3A_1044] : memref<3x512x128xbf16, #tpu.memory_space<vmem>> -> memref<1x512x128xbf16, #tpu.memory_space<vmem>>
    %dma_wait3A_1046 = tpu.memref_squeeze %dma_wait3A_1045 : memref<1x512x128xbf16, #tpu.memory_space<vmem>> -> memref<512x128xbf16, #tpu.memory_space<vmem>>
    %dma_wait3A_1047 = arith.constant 0 : i32
    %dma_wait3A_1048 = tpu.memref_slice %arg5[%add3A_34, %dma_wait3A_1047] : memref<131072x128xbf16, #tpu.memory_space<hbm>> -> memref<512x128xbf16, #tpu.memory_space<hbm>>
    %dma_wait3A_1049 = tpu.memref_slice %arg8[%dma_wait3A_1042] : memref<3x!tpu.dma_semaphore, #tpu.memory_space<semaphore_mem>> -> memref<1x!tpu.dma_semaphore, #tpu.memory_space<semaphore_mem>>
    %dma_wait3A_1050 = tpu.memref_squeeze %dma_wait3A_1049 : memref<1x!tpu.dma_semaphore, #tpu.memory_space<semaphore_mem>> -> memref<!tpu.dma_semaphore, #tpu.memory_space<semaphore_mem>>
    %dma_wait3A_1051 = arith.constant 0 : i32
    %dma_wait3A_1052 = tpu.memref_slice %arg5[%add3A_34, %dma_wait3A_1051] : memref<131072x128xbf16, #tpu.memory_space<hbm>> -> memref<512x128xbf16, #tpu.memory_space<hbm>>
    %dma_wait3A_1053 = arith.constant 0 : i32
    %dma_wait3A_1054 = arith.constant 0 : i32
    %dma_wait3A_1055 = tpu.memref_slice %arg6[%dma_wait3A_1041, %dma_wait3A_1053, %dma_wait3A_1054] : memref<3x512x128xbf16, #tpu.memory_space<vmem>> -> memref<1x512x128xbf16, #tpu.memory_space<vmem>>
    %dma_wait3A_1056 = tpu.memref_squeeze %dma_wait3A_1055 : memref<1x512x128xbf16, #tpu.memory_space<vmem>> -> memref<512x128xbf16, #tpu.memory_space<vmem>>
    tpu.wait_dma2 semaphore(%dma_wait3A_1050 : memref<!tpu.dma_semaphore, #tpu.memory_space<semaphore_mem>>) src(%dma_wait3A_1056 : memref<512x128xbf16, #tpu.memory_space<vmem>>) dst(%dma_wait3A_1052 : memref<512x128xbf16, #tpu.memory_space<hbm>>)
    return
  }
}

</mosaic_0001>

<sc_bundles>
// kernel: kernel.3.cloned.1.call-start
scs
__scs_entry_jumppad:
0x0: {  	(pc) =	sbr.rel $0x88, $3  }
0x1: {  	(tag) =	ssettag $0x0;
	lr =	simm.s32 $0x1  }
0x2: {  	[smem:$0x3F9F] =	sst lr;
	_ =	strace $0xD0000000  }
0x3: {  	_ = 	snop  }
0x4: {  	_ = 	snop  }
0x5: {  	_ = 	snop  }
0x6: {  	_ = 	snop  }
0x7: {  	_ = 	snop  }
__scs_overlays_trampoline_lowered:
0x8: {  	[smem:$0x3FAE] =	sst s0  }
0x9: {  	[smem:$0x3FAF] =	sst s1  }
0xa: {  	[smem:$0x3FB0] =	sst s2  }
0xb: {  	[smem:$0x3FB1] =	sst s3  }
0xc: {  	[smem:$0x3FB2] =	sst s4  }
0xd: {  	[smem:$0x3FB3] =	sst s5  }
0xe: {  	[smem:$0x3FB4] =	sst s6  }
0xf: {  	[smem:$0x3FB5] =	sst s7  }
0x10: {  	[smem:$0x3FB6] =	sst s8  }
0x11: {  	[smem:$0x3FB7] =	sst s9;
	s0 =	simm.s32 @!p0 $0x0  }
0x12: {  	s1 =	sld [smem:$0x3F9D];
	s0 =	simm.s32 @p0 $0x1  }
0x13: {  	[smem:$0x3FB8] =	sst s0;
	s0 =	simm.s32 @!p1 $0x0  }
0x14: {  	s2 =	sld [smem:$0x3F9C];
	s0 =	simm.s32 @p1 $0x1  }
0x15: {  	[smem:$0x3FB9] =	sst s0;
	s0 =	simm.s32 @!p2 $0x0  }
0x16: {  	s3 =	sld [smem:$0x3FDB];
	s0 =	simm.s32 @p2 $0x1  }
0x17: {  	s4 =	simm.s32 $0x1BF5;
	[smem:$0x3FBB] =	sst s0  }
0x18: {  	s0 =	sld [smem:$0x3F9E];
	_ =	swait.ge [sflag:s4], $0x0  }
0x19: {  	s7 =	sld [smem:$0x3F9F]  }
0x1a: {  	s8 =	sadd.s32 $0xFFFFE003, lr  }
0x1b: {  	s9 =	sadd.s32 $0xFFFFFEF7, lr;
	s5 =	simm.s32 $0xFFFFFFFF;
	p2 =	slt.u32 s8, $0xFFFFF086  }
0x1c: {  	p1 =	slt.u32 s9, $0xF7A;
	s5 =	simm.s32 @!p2 $0x0  }
0x1d: {  	s5 =	simm.s32 @p1 $0x1;
	p0 =	seq.s32 s7, s2  }
0x1e: {  	s7 =	smul.u32 @!p0 $0xF7A, s2;
	p2 =	seq.s32 @!p0 s5, $0x0  }
0x1f: {  	s9 =	smul.u32 $0xF7A, s1;
	s8 =	simm.s32 @!p0 $0x1BF5;
	p2 =	por !p2, p0  }
0x20: {  	[sflag:s8] =	ssyncset.s32 @!p0 $0xFFFFF086;
	s6 =	sadd.s32 @!p0 s3, s7;
	s7 =	simm.s32 @!p0 $0x108  }
0x21: {  	s3 =	sadd.s32 s3, s9;
	s6 =	sadd.s32 @!p0 $0x88, s6;
	s7 =	simm.s32 @p2 $0x1082  }
0x22: {  	[simem:s7], [sflag:s8] =	dma.local @!p0 [hbm:s6], $0xF7A  }
0x23: {  	s9 =	sor.u32 $0xD0000000, s2;
	s6 =	simm.s32 $0x108;
	_ =	swait.ge @!p0 [sflag:s8], $0x0  }
0x24: {  	s3 =	sadd.s32 $0x88, s3;
	s6 =	simm.s32 @!p1 $0x1082;
	[sflag:s4] =	ssyncset.s32 $0xFFFFF086  }
0x25: {  	[simem:s6], [sflag:s4] =	dma.local [hbm:s3], $0xF7A  }
0x26: {  	[smem:$0x3F9F] =	sst s1;
	(tag) =	ssettag s2;
	_ =	strace s9  }
0x27: {  	s1 =	sld [smem:$0x3FAF]  }
0x28: {  	s2 =	sld [smem:$0x3FB0]  }
0x29: {  	s4 =	sld [smem:$0x3FB2]  }
0x2a: {  	p0 =	seq.s32 s5, $0x0;
	s5 =	sld [smem:$0x3FB3]  }
0x2b: {  	s6 =	sld [smem:$0x3FB4]  }
0x2c: {  	s7 =	sld [smem:$0x3FB5]  }
0x2d: {  	s3 =	simm.s32 $0x108;
	s8 =	sld [smem:$0x3FB6]  }
0x2e: {  	s3 =	simm.s32 @!p0 $0x1082;
	s9 =	sld [smem:$0x3FB7]  }
0x2f: {  	lr =	sadd.s32 s0, s3;
	s0 =	sld [smem:$0x3FAE]  }
0x30: {  	s3 =	sld [smem:$0x3FB1]  }
0x31: {  	[smem:$0x3FBA] =	sst s10  }
0x32: {  	s10 =	sld [smem:$0x3FB8];
	_ =	sdelay $0x3  }
0x33: {  	p0 =	seq.s32 s10, $0x1;
	s10 =	sld [smem:$0x3FBA];
	_ =	sdelay $0x3  }
0x34: {  	[smem:$0x3FBA] =	sst s10  }
0x35: {  	s10 =	sld [smem:$0x3FB9];
	_ =	sdelay $0x3  }
0x36: {  	p1 =	seq.s32 s10, $0x1;
	s10 =	sld [smem:$0x3FBA];
	_ =	sdelay $0x3  }
0x37: {  	[smem:$0x3FBA] =	sst s10  }
0x38: {  	s10 =	sld [smem:$0x3FBB]  }
0x39: {  	_ = 	snop;
	(pc) =	sbr.ind lr, $3  }
0x3a: {  	_ = 	snop  }
0x3b: {  	_ = 	snop  }
0x3c: {  	p2 =	seq.s32 s10, $0x1;
	s10 =	sld [smem:$0x3FBA]  }
0x3d: {  	_ =	shalt  }
0x3e: {  	_ =	shalt  }
0x3f: {  	_ =	shalt  }
0x40: {  	_ =	shalt  }
0x41: {  	_ =	shalt  }
0x42: {  	_ =	shalt  }
0x43: {  	_ =	shalt  }
0x44: {  	_ =	shalt  }
0x45: {  	_ =	shalt  }
0x46: {  	_ =	shalt  }
0x47: {  	_ =	shalt  }
0x48: {  	_ =	shalt  }
0x49: {  	_ =	shalt  }
0x4a: {  	_ =	shalt  }
0x4b: {  	_ =	shalt  }
0x4c: {  	_ =	shalt  }
0x4d: {  	_ =	shalt  }
0x4e: {  	_ =	shalt  }
0x4f: {  	_ =	shalt  }
0x50: {  	_ =	shalt  }
0x51: {  	_ =	shalt  }
0x52: {  	_ =	shalt  }
0x53: {  	_ =	shalt  }
0x54: {  	_ =	shalt  }
0x55: {  	_ =	shalt  }
0x56: {  	_ =	shalt  }
0x57: {  	_ =	shalt  }
0x58: {  	_ =	shalt  }
0x59: {  	_ =	shalt  }
0x5a: {  	_ =	shalt  }
0x5b: {  	_ =	shalt  }
0x5c: {  	_ =	shalt  }
0x5d: {  	_ =	shalt  }
0x5e: {  	_ =	shalt  }
0x5f: {  	_ =	shalt  }
0x60: {  	_ =	shalt  }
0x61: {  	_ =	shalt  }
0x62: {  	_ =	shalt  }
0x63: {  	_ =	shalt  }
0x64: {  	_ =	shalt  }
0x65: {  	_ =	shalt  }
0x66: {  	_ =	shalt  }
0x67: {  	_ =	shalt  }
0x68: {  	_ =	shalt  }
0x69: {  	_ =	shalt  }
0x6a: {  	_ =	shalt  }
0x6b: {  	_ =	shalt  }
0x6c: {  	_ =	shalt  }
0x6d: {  	_ =	shalt  }
0x6e: {  	_ =	shalt  }
0x6f: {  	_ =	shalt  }
0x70: {  	_ =	shalt  }
0x71: {  	_ =	shalt  }
0x72: {  	_ =	shalt  }
0x73: {  	_ =	shalt  }
0x74: {  	_ =	shalt  }
0x75: {  	_ =	shalt  }
0x76: {  	_ =	shalt  }
0x77: {  	_ =	shalt  }
0x78: {  	_ =	shalt  }
0x79: {  	_ =	shalt  }
0x7a: {  	_ =	shalt  }
0x7b: {  	_ =	shalt  }
0x7c: {  	_ =	shalt  }
0x7d: {  	_ =	shalt  }
0x7e: {  	_ =	shalt  }
0x7f: {  	_ =	shalt  }
0x80: {  	_ =	shalt  }
0x81: {  	_ =	shalt  }
0x82: {  	_ =	shalt  }
0x83: {  	_ =	shalt  }
0x84: {  	_ =	shalt  }
0x85: {  	_ =	shalt  }
0x86: {  	_ =	shalt  }
0x87: {  	_ =	shalt  }
.Lfunc_end0:
.L_simem_size_0:
called_computation_lowered:
.L_overlay_start_0:
0x88: {  	s2 =	sld [smem:$0x3FD9]  }
0x89: {  	s3 =	sld [smem:$0x3FFE];
	_ =	sdelay $0x1  }
0x8a: {  	s1 =	srdreg.scid  }
0x8b: {  	s0 =	sand.u32 $0x1, s1  }
0x8c: {  	s15 =	sshll.u32 s0, $0xA;
	s2 =	sadd.s32 s3, s2  }
0x8d: {  	s2 =	sadd.s32 s2, s15  }
0x8e: {  	[smem:$0x3FC6] =	sst s2  }
0x8f: {  	_ = 	snop  }
0x90: {  	s2 =	sld [smem:$0x3FD0];
	_ =	sdelay $0x1  }
0x91: {  	s16 =	sld [smem:$0x3FC9]  }
0x92: {  	s5 =	simm.s32 $0xA;
	s6 =	simm.s32 $0x10;
	s4 =	sld [smem:$0x3FC8]  }
0x93: {  	[smem:s6], [sflag:s5] =	dma.local [hbm:s2], $0x1  }
0x94: {  	_ =	swait.eq [sflag:s5], $0x1  }
0x95: {  	[sflag:s5] =	ssyncset.done $0x0  }
0x96: {  	s17 =	sld [smem:$0x10];
	[sflag:s5] =	ssyncadd.s32 $0xFFFFFFFF  }
0x97: {  	s18 =	sld [smem:$0x11];
	(tm) =	ssettm $0x1  }
0x98: {  	s19 =	sld [smem:$0x3FFB];
	_ =	sdelay $0x3  }
0x99: {  	_ =	strace s19  }
0x9a: {  	s6 =	sld [smem:$0x3FFC];
	_ =	sdelay $0x3  }
0x9b: {  	_ =	strace s6  }
0x9c: {  	s6 =	sld [smem:$0x3FFD];
	_ =	sdelay $0x3  }
0x9d: {  	_ =	strace s6  }
0x9e: {  	_ =	strace $0x8FFFFFFF  }
0x9f: {  	s20 =	sld [smem:$0x3FDB];
	_ =	sdelay $0x1  }
0xa0: {  	s7 =	simm.s32 $_scs_section_size  }
0xa1: {  	s8 =	simm.s32 $_size__tile_overlayer_lowered;
	s9 =	simm.s32 $_tile_overlayer_lowered  }
0xa2: {  	s23 =	simm.s32 $0x1BFF;
	s22 =	sshll.u32 s9, $0x1;
	s6 =	sadd.s32 s7, s20  }
0xa3: {  	s10 =	simm.s32 $0x0;
	s21 =	sshll.u32 s8, $0x1;
	s8 =	sadd.s32 s22, s6  }
0xa4: {  	[timem:s10], [sflag:s23] =	dma.local [hbm:s8], s21  }
0xa5: {  	_ =	swait.ge [sflag:s23], s21  }
0xa6: {  	s7 =	ssub.s32 $0x0, s21;
	[sflag:s23] =	ssyncset.done $0x0  }
0xa7: {  	[sflag:s23] =	ssyncadd.s32 s7;
	_ =	sdelay $0x1  }
0xa8: {  	s24 =	simm.s32 $0x1B8B  }
0xa9: {  	_ =	swait.ge [sflag:s24], $0x1  }
0xaa: {  	[sflag:s24] =	ssyncset.done $0x0  }
0xab: {  	s25 =	simm.s32 $0x1B8E;
	[sflag:s24] =	ssyncadd.s32 $0xFFFFFFFF  }
0xac: {  	s26 =	simm.s32 $execute0_lowered;
	[smem:$0x3FD2] =	sst s25  }
0xad: {  	s7 =	sshll.u32 s26, $0x1;
	_ =	strace $0x80000046;
	[dreg:$0x1] =	wrdreg $0xFFFFFFFF  }
0xae: {  	s28 =	simm.s32 $_size_execute0_lowered;
	s6 =	sadd.s32 s6, s7;
	[dreg:$0x0] =	wrdreg $0x0  }
0xaf: {  	s7 =	sshll.u32 s28, $0x1;
	[dreg:$0x2] =	wrdreg s6  }
0xb0: {  	[dreg:$0x3] =	wrdreg s7  }
0xb1: {  	[dreg:$0x4] =	wrdreg $0xC0  }
0xb2: {  	_ =	task [dreg:s10], $0x5FFFF  }
0xb3: {  	[dreg:$0x1] =	wrdreg $0xFFFFFFFF  }
0xb4: {  	[dreg:$0x0] =	wrdreg $0x60  }
0xb5: {  	[dreg:$0x2] =	wrdreg s16  }
0xb6: {  	[dreg:$0x3] =	wrdreg s4  }
0xb7: {  	[dreg:$0x4] =	wrdreg s17  }
0xb8: {  	[dreg:$0x5] =	wrdreg s18  }
0xb9: {  	[dreg:$0x6] =	wrdreg $0x9  }
0xba: {  	_ =	task.clear_ibuf [dreg:s10], $0x7FFFF;
	_ =	strace $0x90000046  }
0xbb: {  	s29 =	simm.s32 $0x9;
	_ =	strace $0x80000048  }
0xbc: {  	_ =	swait.ge [sflag:s29], $0x1  }
0xbd: {  	[sflag:s29] =	ssyncadd.s32 $0xFFFFFFFF  }
0xbe: {  	_ =	strace $0x90000048  }
0xbf: {  	_ =	sfence  }
0xc0: {  	s30 =	sld [smem:$0x0];
	_ =	sdelay $0x2  }
0xc1: {  	s31 =	sshll.u32 s1, $0xD;
	s1 =	sshrl.u32 s1, $0x2  }
0xc2: {  	s3 =	sand.u32 $0x4000, s31;
	s1 =	sadd.s32 s1, s30  }
0xc3: {  	s0 =	sor.u32 s3, s0;
	s1 =	sshll.u32 s1, $0x11  }
0xc4: {  	s0 =	sor.u32 s1, s0  }
0xc5: {  	s0 =	sadd.s32 $0x8F2B, s0  }
0xc6: {  	[sflag:s0] =	ssyncadd.remote.s32 $0x1  }
0xc7: {  	_ =	sfence.sel $0xFFFF  }
0xc8: {  	[dreg:$0x0] =	wrdreg $0xFFFFFFFF;
	(pc) =	sbr.abs _section_cstart, $3  }
0xc9: {  	[dreg:$0x1] =	wrdreg $0xFFFFFFFF  }
0xca: {  	_ =	task.clear_ibuf [dreg:s10], $0x2FFFF;
	_ =	strace $0x9FFFFFFF  }
0xcb: {  	(tm) =	ssettm $0x7FFFFFFF  }
tec
execute0_lowered:
.L_overlay_start_1:
0x0: {  	(tag) =	ssettag $0x1  }
0x1: {  	s11 =	rddreg [dreg:$0x0]  }
0x2: {  	s28 =	rddreg [dreg:$0x1];
	s1 =	srdreg.scid  }
0x3: {  	s16 =	rddreg [dreg:$0x2];
	s3 =	stileid.u32;
	s1 =	sand.u32 $0x1, s1  }
0x4: {  	s2 =	simm.s32 $0x0;
	s3 =	sshll.u32 s3, $0x10;
	s4 =	sshll.u32 s1, $0xF  }
0x5: {  	[smem:$0x7FF] =	sst s2;
	s18 =	sor.u32 s4, s3  }
0x6: {  	s0 =	rddreg [dreg:$0x3];
	_ =	strace $0x80000047;
	s3 =	sadd.s32 s11, s18  }
0x7: {  	s20 =	sor.u32 $0x1000, s18;
	s6 =	sadd.s32 s16, s18;
	[dreg:$0x5] =	wrdreg s3  }
0x8: {  	s22 =	sor.u32 $0x2000, s18;
	s4 =	sadd.s32 s11, s20;
	[dreg:$0x8] =	wrdreg s6  }
0x9: {  	s24 =	sor.u32 $0x3000, s18;
	s5 =	sadd.s32 s11, s22;
	[dreg:$0x6] =	wrdreg s4  }
0xa: {  	s7 =	sadd.s32 s11, s24;
	[dreg:$0x7] =	wrdreg s5  }
0xb: {  	s26 =	sor.u32 $0x4000, s18;
	s8 =	sadd.s32 s16, s20;
	[dreg:$0x9] =	wrdreg s7  }
0xc: {  	s9 =	sadd.s32 s11, s26;
	[dreg:$0xa] =	wrdreg s8  }
0xd: {  	s29 =	sor.u32 $0x5000, s18;
	s10 =	sadd.s32 s16, s22;
	[dreg:$0xb] =	wrdreg s9  }
0xe: {  	s12 =	sadd.s32 s11, s29;
	[dreg:$0xc] =	wrdreg s10  }
0xf: {  	s13 =	sadd.s32 s16, s24;
	[dreg:$0xd] =	wrdreg s12  }
0x10: {  	s30 =	sor.u32 $0x6000, s18;
	[dreg:$0xe] =	wrdreg s13  }
0x11: {  	s14 =	sadd.s32 s11, s30;
	s15 =	rddreg [dreg:$0x5]  }
0x12: {  	s17 =	sadd.s32 s16, s26;
	[dreg:$0xf] =	wrdreg s14  }
0x13: {  	[dreg:$0x10] =	wrdreg s17  }
0x14: {  	[tilespmem:s2], [sflag:$0x1] =	stream.linear.gather [hbm4b:s15+s2], $0x8000, $0x38;
	[tilespmem:$0x18000] =	vst v63  }
0x15: {  	s3 =	simm.s32 $0x8000;
	s5 =	rddreg [dreg:$0x6]  }
0x16: {  	[tilespmem:s3], [sflag:$0x2] =	stream.linear.gather [hbm4b:s5+s2], $0x8000, $0x38;
	[tilespmem:$0x18000] =	vst v63  }
0x17: {  	s4 =	simm.s32 $0x10000;
	s6 =	rddreg [dreg:$0x7];
	s5 =	simm.s32 $0x1  }
0x18: {  	[tilespmem:s4], [sflag:$0x3] =	stream.linear.gather [hbm4b:s6+s2], $0x8000, $0x38;
	[tilespmem:$0x18000] =	vst v63  }
0x19: {  	_ =	swait.ge [sflag:s5], $0x8000  }
0x1a: {  	[sflag:s5] =	ssyncset.done $0x0  }
0x1b: {  	s6 =	simm.s32 $0x4;
	s7 =	rddreg [dreg:$0x8];
	[sflag:s5] =	ssyncadd.s32 $0xFFFF8000  }
0x1c: {  	[hbm4b:s7+s2] =	stream.linear.scatter [tilespmem:s2], [sflag:$0x4], $0x8000, $0x38;
	[tilespmem:$0x18000] =	vst v63  }
0x1d: {  	_ =	swait.ge [sflag:s6], $0x8000  }
0x1e: {  	[sflag:s6] =	ssyncset.done $0x0  }
0x1f: {  	s7 =	simm.s32 $0x2;
	s8 =	rddreg [dreg:$0x9];
	[sflag:s6] =	ssyncadd.s32 $0xFFFF8000  }
0x20: {  	[tilespmem:s2], [sflag:$0x1] =	stream.linear.gather [hbm4b:s8+s2], $0x8000, $0x38;
	[tilespmem:$0x18000] =	vst v63  }
0x21: {  	_ =	swait.ge [sflag:s7], $0x8000  }
0x22: {  	[sflag:s7] =	ssyncset.done $0x0  }
0x23: {  	s8 =	simm.s32 $0x5;
	s9 =	rddreg [dreg:$0xa];
	[sflag:s7] =	ssyncadd.s32 $0xFFFF8000  }
0x24: {  	[hbm4b:s9+s2] =	stream.linear.scatter [tilespmem:s3], [sflag:$0x5], $0x8000, $0x38;
	[tilespmem:$0x18000] =	vst v63  }
0x25: {  	_ =	swait.ge [sflag:s8], $0x8000  }
0x26: {  	[sflag:s8] =	ssyncset.done $0x0  }
0x27: {  	s9 =	simm.s32 $0x3;
	s10 =	rddreg [dreg:$0xb];
	[sflag:s8] =	ssyncadd.s32 $0xFFFF8000  }
0x28: {  	[tilespmem:s3], [sflag:$0x2] =	stream.linear.gather [hbm4b:s10+s2], $0x8000, $0x38;
	[tilespmem:$0x18000] =	vst v63  }
0x29: {  	_ =	swait.ge [sflag:s9], $0x8000  }
0x2a: {  	[sflag:s9] =	ssyncset.done $0x0  }
0x2b: {  	s10 =	simm.s32 $0x6;
	s12 =	rddreg [dreg:$0xc];
	[sflag:s9] =	ssyncadd.s32 $0xFFFF8000  }
0x2c: {  	[hbm4b:s12+s2] =	stream.linear.scatter [tilespmem:s4], [sflag:$0x6], $0x8000, $0x38;
	[tilespmem:$0x18000] =	vst v63  }
0x2d: {  	_ =	swait.ge [sflag:s10], $0x8000  }
0x2e: {  	[sflag:s10] =	ssyncset.done $0x0  }
0x2f: {  	s19 =	rddreg [dreg:$0xd];
	[sflag:s10] =	ssyncadd.s32 $0xFFFF8000  }
0x30: {  	[tilespmem:s4], [sflag:$0x3] =	stream.linear.gather [hbm4b:s19+s2], $0x8000, $0x38;
	[tilespmem:$0x18000] =	vst v63  }
0x31: {  	_ =	swait.ge [sflag:s5], $0x8000  }
0x32: {  	[sflag:s5] =	ssyncset.done $0x0  }
0x33: {  	s21 =	rddreg [dreg:$0xe];
	[sflag:s5] =	ssyncadd.s32 $0xFFFF8000  }
0x34: {  	[hbm4b:s21+s2] =	stream.linear.scatter [tilespmem:s2], [sflag:$0x4], $0x8000, $0x38;
	[tilespmem:$0x18000] =	vst v63  }
0x35: {  	_ =	swait.ge [sflag:s6], $0x8000  }
0x36: {  	[sflag:s6] =	ssyncset.done $0x0  }
0x37: {  	s23 =	rddreg [dreg:$0xf];
	[sflag:s6] =	ssyncadd.s32 $0xFFFF8000  }
0x38: {  	[tilespmem:s2], [sflag:$0x1] =	stream.linear.gather [hbm4b:s23+s2], $0x8000, $0x38;
	[tilespmem:$0x18000] =	vst v63  }
0x39: {  	_ =	swait.ge [sflag:s7], $0x8000  }
0x3a: {  	[sflag:s7] =	ssyncset.done $0x0  }
0x3b: {  	s25 =	rddreg [dreg:$0x10];
	[sflag:s7] =	ssyncadd.s32 $0xFFFF8000  }
0x3c: {  	[hbm4b:s25+s2] =	stream.linear.scatter [tilespmem:s3], [sflag:$0x5], $0x8000, $0x38;
	[tilespmem:$0x18000] =	vst v63  }
0x3d: {  	s31 =	sor.u32 $0x7000, s18;
	_ =	swait.ge [sflag:s8], $0x8000  }
0x3e: {  	s11 =	sadd.s32 s11, s31;
	[sflag:s8] =	ssyncset.done $0x0  }
0x3f: {  	[dreg:$0x11] =	wrdreg s11;
	[sflag:s8] =	ssyncadd.s32 $0xFFFF8000  }
0x40: {  	[tilespmem:s3], [sflag:$0x2] =	stream.linear.gather [hbm4b:s11+s2], $0x8000, $0x38;
	[tilespmem:$0x18000] =	vst v63  }
0x41: {  	_ =	swait.ge [sflag:s9], $0x8000  }
0x42: {  	[sflag:s9] =	ssyncset.done $0x0  }
0x43: {  	s11 =	sadd.s32 s16, s29;
	[sflag:s9] =	ssyncadd.s32 $0xFFFF8000  }
0x44: {  	[hbm4b:s11+s2] =	stream.linear.scatter [tilespmem:s4], [sflag:$0x6], $0x8000, $0x38;
	[tilespmem:$0x18000] =	vst v63  }
0x45: {  	_ =	swait.ge [sflag:s10], $0x8000  }
0x46: {  	[sflag:s10] =	ssyncset.done $0x0  }
0x47: {  	s13 =	sadd.s32 s28, s18;
	[sflag:s10] =	ssyncadd.s32 $0xFFFF8000  }
0x48: {  	[tilespmem:s4], [sflag:$0x3] =	stream.linear.gather [hbm4b:s13+s2], $0x8000, $0x38;
	[tilespmem:$0x18000] =	vst v63  }
0x49: {  	_ =	swait.ge [sflag:s5], $0x8000  }
0x4a: {  	[sflag:s5] =	ssyncset.done $0x0  }
0x4b: {  	s14 =	sadd.s32 s16, s30;
	[sflag:s5] =	ssyncadd.s32 $0xFFFF8000  }
0x4c: {  	[hbm4b:s14+s2] =	stream.linear.scatter [tilespmem:s2], [sflag:$0x4], $0x8000, $0x38;
	[tilespmem:$0x18000] =	vst v63  }
0x4d: {  	_ =	swait.ge [sflag:s6], $0x8000  }
0x4e: {  	[sflag:s6] =	ssyncset.done $0x0  }
0x4f: {  	s15 =	sadd.s32 s28, s20;
	[sflag:s6] =	ssyncadd.s32 $0xFFFF8000  }
0x50: {  	[tilespmem:s2], [sflag:$0x1] =	stream.linear.gather [hbm4b:s15+s2], $0x8000, $0x38;
	[tilespmem:$0x18000] =	vst v63  }
0x51: {  	_ =	swait.ge [sflag:s7], $0x8000  }
0x52: {  	[sflag:s7] =	ssyncset.done $0x0  }
0x53: {  	s16 =	sadd.s32 s16, s31;
	[sflag:s7] =	ssyncadd.s32 $0xFFFF8000  }
0x54: {  	[hbm4b:s16+s2] =	stream.linear.scatter [tilespmem:s3], [sflag:$0x5], $0x8000, $0x38;
	[tilespmem:$0x18000] =	vst v63  }
0x55: {  	_ =	swait.ge [sflag:s8], $0x8000  }
0x56: {  	[sflag:s8] =	ssyncset.done $0x0  }
0x57: {  	s17 =	sadd.s32 s28, s22;
	[sflag:s8] =	ssyncadd.s32 $0xFFFF8000  }
0x58: {  	[tilespmem:s3], [sflag:$0x2] =	stream.linear.gather [hbm4b:s17+s2], $0x8000, $0x38;
	[tilespmem:$0x18000] =	vst v63  }
0x59: {  	_ =	swait.ge [sflag:s9], $0x8000  }
0x5a: {  	[sflag:s9] =	ssyncset.done $0x0  }
0x5b: {  	s18 =	sadd.s32 s0, s18;
	[sflag:s9] =	ssyncadd.s32 $0xFFFF8000  }
0x5c: {  	[hbm4b:s18+s2] =	stream.linear.scatter [tilespmem:s4], [sflag:$0x6], $0x8000, $0x38;
	[tilespmem:$0x18000] =	vst v63  }
0x5d: {  	_ =	swait.ge [sflag:s10], $0x8000  }
0x5e: {  	[sflag:s10] =	ssyncset.done $0x0  }
0x5f: {  	s19 =	sadd.s32 s28, s24;
	[sflag:s10] =	ssyncadd.s32 $0xFFFF8000  }
0x60: {  	[tilespmem:s4], [sflag:$0x3] =	stream.linear.gather [hbm4b:s19+s2], $0x8000, $0x38;
	[tilespmem:$0x18000] =	vst v63  }
0x61: {  	_ =	swait.ge [sflag:s5], $0x8000  }
0x62: {  	[sflag:s5] =	ssyncset.done $0x0  }
0x63: {  	s20 =	sadd.s32 s0, s20;
	[sflag:s5] =	ssyncadd.s32 $0xFFFF8000  }
0x64: {  	[hbm4b:s20+s2] =	stream.linear.scatter [tilespmem:s2], [sflag:$0x4], $0x8000, $0x38;
	[tilespmem:$0x18000] =	vst v63  }
0x65: {  	_ =	swait.ge [sflag:s6], $0x8000  }
0x66: {  	[sflag:s6] =	ssyncset.done $0x0  }
0x67: {  	s21 =	sadd.s32 s28, s26;
	[sflag:s6] =	ssyncadd.s32 $0xFFFF8000  }
0x68: {  	[tilespmem:s2], [sflag:$0x1] =	stream.linear.gather [hbm4b:s21+s2], $0x8000, $0x38;
	[tilespmem:$0x18000] =	vst v63  }
0x69: {  	_ =	swait.ge [sflag:s7], $0x8000  }
0x6a: {  	[sflag:s7] =	ssyncset.done $0x0  }
0x6b: {  	s22 =	sadd.s32 s0, s22;
	[sflag:s7] =	ssyncadd.s32 $0xFFFF8000  }
0x6c: {  	[hbm4b:s22+s2] =	stream.linear.scatter [tilespmem:s3], [sflag:$0x5], $0x8000, $0x38;
	[tilespmem:$0x18000] =	vst v63  }
0x6d: {  	_ =	swait.ge [sflag:s8], $0x8000  }
0x6e: {  	[sflag:s8] =	ssyncset.done $0x0  }
0x6f: {  	s23 =	sadd.s32 s28, s29;
	[sflag:s8] =	ssyncadd.s32 $0xFFFF8000  }
0x70: {  	[tilespmem:s3], [sflag:$0x2] =	stream.linear.gather [hbm4b:s23+s2], $0x8000, $0x38;
	[tilespmem:$0x18000] =	vst v63  }
0x71: {  	_ =	swait.ge [sflag:s9], $0x8000  }
0x72: {  	[sflag:s9] =	ssyncset.done $0x0  }
0x73: {  	s24 =	sadd.s32 s0, s24;
	[sflag:s9] =	ssyncadd.s32 $0xFFFF8000  }
0x74: {  	[hbm4b:s24+s2] =	stream.linear.scatter [tilespmem:s4], [sflag:$0x6], $0x8000, $0x38;
	[tilespmem:$0x18000] =	vst v63  }
0x75: {  	_ =	swait.ge [sflag:s10], $0x8000  }
0x76: {  	[sflag:s10] =	ssyncset.done $0x0  }
0x77: {  	s25 =	sadd.s32 s28, s30;
	[sflag:s10] =	ssyncadd.s32 $0xFFFF8000  }
0x78: {  	[tilespmem:s4], [sflag:$0x3] =	stream.linear.gather [hbm4b:s25+s2], $0x8000, $0x38;
	[tilespmem:$0x18000] =	vst v63  }
0x79: {  	_ =	swait.ge [sflag:s5], $0x8000  }
0x7a: {  	[sflag:s5] =	ssyncset.done $0x0  }
0x7b: {  	s26 =	sadd.s32 s0, s26;
	[sflag:s5] =	ssyncadd.s32 $0xFFFF8000  }
0x7c: {  	[hbm4b:s26+s2] =	stream.linear.scatter [tilespmem:s2], [sflag:$0x4], $0x8000, $0x38;
	[tilespmem:$0x18000] =	vst v63  }
0x7d: {  	_ =	swait.ge [sflag:s6], $0x8000  }
0x7e: {  	[sflag:s6] =	ssyncset.done $0x0  }
0x7f: {  	s28 =	sadd.s32 s28, s31;
	[sflag:s6] =	ssyncadd.s32 $0xFFFF8000  }
0x80: {  	[tilespmem:s2], [sflag:$0x1] =	stream.linear.gather [hbm4b:s28+s2], $0x8000, $0x38;
	[tilespmem:$0x18000] =	vst v63  }
0x81: {  	_ =	swait.ge [sflag:s7], $0x8000  }
0x82: {  	[sflag:s7] =	ssyncset.done $0x0  }
0x83: {  	s29 =	sadd.s32 s0, s29;
	[sflag:s7] =	ssyncadd.s32 $0xFFFF8000  }
0x84: {  	[hbm4b:s29+s2] =	stream.linear.scatter [tilespmem:s3], [sflag:$0x5], $0x8000, $0x38;
	[tilespmem:$0x18000] =	vst v63  }
0x85: {  	_ =	swait.ge [sflag:s9], $0x8000  }
0x86: {  	[sflag:s9] =	ssyncset.done $0x0  }
0x87: {  	s30 =	sadd.s32 s0, s30;
	[sflag:s9] =	ssyncadd.s32 $0xFFFF8000  }
0x88: {  	[hbm4b:s30+s2] =	stream.linear.scatter [tilespmem:s4], [sflag:$0x6], $0x8000, $0x38;
	[tilespmem:$0x18000] =	vst v63  }
0x89: {  	s12 =	ssub.s32 $0x2, s1;
	_ =	swait.ge [sflag:s5], $0x8000  }
0x8a: {  	s1 =	sshrl.u32 s12, $0x1;
	[sflag:s5] =	ssyncset.done $0x0  }
0x8b: {  	s31 =	sadd.s32 s0, s31;
	s0 =	ssub.s32 s12, s1;
	[sflag:s5] =	ssyncadd.s32 $0xFFFF8000  }
0x8c: {  	[hbm4b:s31+s2] =	stream.linear.scatter [tilespmem:s2], [sflag:$0x4], $0x8000, $0x38;
	[tilespmem:$0x18000] =	vst v63  }
0x8d: {  	s0 =	smax.u32 s0, $0x1;
	_ =	swait.ge [sflag:s8], $0x8000  }
0x8e: {  	p0 =	sne.s32 s0, $0x1;
	[sflag:s8] =	ssyncset.done $0x0  }
.Ltmp0:
0x8f: {  	[sflag:s8] =	ssyncadd.s32 $0xFFFF8000;
	(pc) =	sbr.rel @!p0 .LBB2_3-.Ltmp0, $4  }
0x90: {  	_ =	swait.ge [sflag:s10], $0x8000  }
0x91: {  	[sflag:s10] =	ssyncset.done $0x0  }
0x92: {  	[sflag:s10] =	ssyncadd.s32 $0xFFFF8000  }
0x93: {  	s0 =	sadd.s32 $0xFFFFFFFF, s0;
	_ =	swait.ge [sflag:s6], $0x8000  }
0x94: {  	s12 =	smov.u32 s11  }
.LBB2_2:
0x95: {  	[sflag:s6] =	ssyncset.done $0x0  }
0x96: {  	s1 =	rddreg [dreg:$0x5];
	[sflag:s6] =	ssyncadd.s32 $0xFFFF8000  }
0x97: {  	[tilespmem:s2], [sflag:$0x1] =	stream.linear.gather [hbm4b:s1+s2], $0x8000, $0x38;
	[tilespmem:$0x18000] =	vst v63  }
0x98: {  	s11 =	rddreg [dreg:$0x6]  }
0x99: {  	[tilespmem:s3], [sflag:$0x2] =	stream.linear.gather [hbm4b:s11+s2], $0x8000, $0x38;
	[tilespmem:$0x18000] =	vst v63  }
0x9a: {  	s1 =	rddreg [dreg:$0x7]  }
0x9b: {  	[tilespmem:s4], [sflag:$0x3] =	stream.linear.gather [hbm4b:s1+s2], $0x8000, $0x38;
	[tilespmem:$0x18000] =	vst v63  }
0x9c: {  	_ =	swait.ge [sflag:s5], $0x8000  }
0x9d: {  	[sflag:s5] =	ssyncset.done $0x0  }
0x9e: {  	s11 =	rddreg [dreg:$0x8];
	[sflag:s5] =	ssyncadd.s32 $0xFFFF8000  }
0x9f: {  	[hbm4b:s11+s2] =	stream.linear.scatter [tilespmem:s2], [sflag:$0x4], $0x8000, $0x38;
	[tilespmem:$0x18000] =	vst v63  }
0xa0: {  	_ =	swait.ge [sflag:s6], $0x8000  }
0xa1: {  	[sflag:s6] =	ssyncset.done $0x0  }
0xa2: {  	s11 =	rddreg [dreg:$0x9];
	[sflag:s6] =	ssyncadd.s32 $0xFFFF8000  }
0xa3: {  	[tilespmem:s2], [sflag:$0x1] =	stream.linear.gather [hbm4b:s11+s2], $0x8000, $0x38;
	[tilespmem:$0x18000] =	vst v63  }
0xa4: {  	_ =	swait.ge [sflag:s7], $0x8000  }
0xa5: {  	[sflag:s7] =	ssyncset.done $0x0  }
0xa6: {  	s11 =	rddreg [dreg:$0xa];
	[sflag:s7] =	ssyncadd.s32 $0xFFFF8000  }
0xa7: {  	[hbm4b:s11+s2] =	stream.linear.scatter [tilespmem:s3], [sflag:$0x5], $0x8000, $0x38;
	[tilespmem:$0x18000] =	vst v63  }
0xa8: {  	_ =	swait.ge [sflag:s8], $0x8000  }
0xa9: {  	[sflag:s8] =	ssyncset.done $0x0  }
0xaa: {  	s11 =	rddreg [dreg:$0xb];
	[sflag:s8] =	ssyncadd.s32 $0xFFFF8000  }
0xab: {  	[tilespmem:s3], [sflag:$0x2] =	stream.linear.gather [hbm4b:s11+s2], $0x8000, $0x38;
	[tilespmem:$0x18000] =	vst v63  }
0xac: {  	_ =	swait.ge [sflag:s9], $0x8000  }
0xad: {  	[sflag:s9] =	ssyncset.done $0x0  }
0xae: {  	s11 =	rddreg [dreg:$0xc];
	[sflag:s9] =	ssyncadd.s32 $0xFFFF8000  }
0xaf: {  	[hbm4b:s11+s2] =	stream.linear.scatter [tilespmem:s4], [sflag:$0x6], $0x8000, $0x38;
	[tilespmem:$0x18000] =	vst v63  }
0xb0: {  	_ =	swait.ge [sflag:s10], $0x8000  }
0xb1: {  	[sflag:s10] =	ssyncset.done $0x0  }
0xb2: {  	s11 =	rddreg [dreg:$0xd];
	[sflag:s10] =	ssyncadd.s32 $0xFFFF8000  }
0xb3: {  	[tilespmem:s4], [sflag:$0x3] =	stream.linear.gather [hbm4b:s11+s2], $0x8000, $0x38;
	[tilespmem:$0x18000] =	vst v63  }
0xb4: {  	_ =	swait.ge [sflag:s5], $0x8000  }
0xb5: {  	[sflag:s5] =	ssyncset.done $0x0  }
0xb6: {  	s11 =	rddreg [dreg:$0xe];
	[sflag:s5] =	ssyncadd.s32 $0xFFFF8000  }
0xb7: {  	[hbm4b:s11+s2] =	stream.linear.scatter [tilespmem:s2], [sflag:$0x4], $0x8000, $0x38;
	[tilespmem:$0x18000] =	vst v63  }
0xb8: {  	_ =	swait.ge [sflag:s6], $0x8000  }
0xb9: {  	[sflag:s6] =	ssyncset.done $0x0  }
0xba: {  	s11 =	rddreg [dreg:$0xf];
	[sflag:s6] =	ssyncadd.s32 $0xFFFF8000  }
0xbb: {  	[tilespmem:s2], [sflag:$0x1] =	stream.linear.gather [hbm4b:s11+s2], $0x8000, $0x38;
	[tilespmem:$0x18000] =	vst v63  }
0xbc: {  	_ =	swait.ge [sflag:s7], $0x8000  }
0xbd: {  	[sflag:s7] =	ssyncset.done $0x0  }
0xbe: {  	s11 =	rddreg [dreg:$0x10];
	[sflag:s7] =	ssyncadd.s32 $0xFFFF8000  }
0xbf: {  	[hbm4b:s11+s2] =	stream.linear.scatter [tilespmem:s3], [sflag:$0x5], $0x8000, $0x38;
	[tilespmem:$0x18000] =	vst v63  }
0xc0: {  	_ =	swait.ge [sflag:s8], $0x8000  }
0xc1: {  	[sflag:s8] =	ssyncset.done $0x0  }
0xc2: {  	s11 =	rddreg [dreg:$0x11];
	[sflag:s8] =	ssyncadd.s32 $0xFFFF8000  }
0xc3: {  	[tilespmem:s3], [sflag:$0x2] =	stream.linear.gather [hbm4b:s11+s2], $0x8000, $0x38;
	[tilespmem:$0x18000] =	vst v63  }
0xc4: {  	_ =	swait.ge [sflag:s9], $0x8000  }
0xc5: {  	[sflag:s9] =	ssyncset.done $0x0  }
0xc6: {  	[sflag:s9] =	ssyncadd.s32 $0xFFFF8000  }
0xc7: {  	[hbm4b:s12+s2] =	stream.linear.scatter [tilespmem:s4], [sflag:$0x6], $0x8000, $0x38;
	[tilespmem:$0x18000] =	vst v63  }
0xc8: {  	_ =	swait.ge [sflag:s10], $0x8000  }
0xc9: {  	[sflag:s10] =	ssyncset.done $0x0  }
0xca: {  	[sflag:s10] =	ssyncadd.s32 $0xFFFF8000  }
0xcb: {  	[tilespmem:s4], [sflag:$0x3] =	stream.linear.gather [hbm4b:s13+s2], $0x8000, $0x38;
	[tilespmem:$0x18000] =	vst v63  }
0xcc: {  	_ =	swait.ge [sflag:s5], $0x8000  }
0xcd: {  	[sflag:s5] =	ssyncset.done $0x0  }
0xce: {  	[sflag:s5] =	ssyncadd.s32 $0xFFFF8000  }
0xcf: {  	[hbm4b:s14+s2] =	stream.linear.scatter [tilespmem:s2], [sflag:$0x4], $0x8000, $0x38;
	[tilespmem:$0x18000] =	vst v63  }
0xd0: {  	_ =	swait.ge [sflag:s6], $0x8000  }
0xd1: {  	[sflag:s6] =	ssyncset.done $0x0  }
0xd2: {  	[sflag:s6] =	ssyncadd.s32 $0xFFFF8000  }
0xd3: {  	[tilespmem:s2], [sflag:$0x1] =	stream.linear.gather [hbm4b:s15+s2], $0x8000, $0x38;
	[tilespmem:$0x18000] =	vst v63  }
0xd4: {  	_ =	swait.ge [sflag:s7], $0x8000  }
0xd5: {  	[sflag:s7] =	ssyncset.done $0x0  }
0xd6: {  	[sflag:s7] =	ssyncadd.s32 $0xFFFF8000  }
0xd7: {  	[hbm4b:s16+s2] =	stream.linear.scatter [tilespmem:s3], [sflag:$0x5], $0x8000, $0x38;
	[tilespmem:$0x18000] =	vst v63  }
0xd8: {  	_ =	swait.ge [sflag:s8], $0x8000  }
0xd9: {  	[sflag:s8] =	ssyncset.done $0x0  }
0xda: {  	[sflag:s8] =	ssyncadd.s32 $0xFFFF8000  }
0xdb: {  	[tilespmem:s3], [sflag:$0x2] =	stream.linear.gather [hbm4b:s17+s2], $0x8000, $0x38;
	[tilespmem:$0x18000] =	vst v63  }
0xdc: {  	_ =	swait.ge [sflag:s9], $0x8000  }
0xdd: {  	[sflag:s9] =	ssyncset.done $0x0  }
0xde: {  	[sflag:s9] =	ssyncadd.s32 $0xFFFF8000  }
0xdf: {  	[hbm4b:s18+s2] =	stream.linear.scatter [tilespmem:s4], [sflag:$0x6], $0x8000, $0x38;
	[tilespmem:$0x18000] =	vst v63  }
0xe0: {  	_ =	swait.ge [sflag:s10], $0x8000  }
0xe1: {  	[sflag:s10] =	ssyncset.done $0x0  }
0xe2: {  	[sflag:s10] =	ssyncadd.s32 $0xFFFF8000  }
0xe3: {  	[tilespmem:s4], [sflag:$0x3] =	stream.linear.gather [hbm4b:s19+s2], $0x8000, $0x38;
	[tilespmem:$0x18000] =	vst v63  }
0xe4: {  	_ =	swait.ge [sflag:s5], $0x8000  }
0xe5: {  	[sflag:s5] =	ssyncset.done $0x0  }
0xe6: {  	[sflag:s5] =	ssyncadd.s32 $0xFFFF8000  }
0xe7: {  	[hbm4b:s20+s2] =	stream.linear.scatter [tilespmem:s2], [sflag:$0x4], $0x8000, $0x38;
	[tilespmem:$0x18000] =	vst v63  }
0xe8: {  	_ =	swait.ge [sflag:s6], $0x8000  }
0xe9: {  	[sflag:s6] =	ssyncset.done $0x0  }
0xea: {  	[sflag:s6] =	ssyncadd.s32 $0xFFFF8000  }
0xeb: {  	[tilespmem:s2], [sflag:$0x1] =	stream.linear.gather [hbm4b:s21+s2], $0x8000, $0x38;
	[tilespmem:$0x18000] =	vst v63  }
0xec: {  	_ =	swait.ge [sflag:s7], $0x8000  }
0xed: {  	[sflag:s7] =	ssyncset.done $0x0  }
0xee: {  	[sflag:s7] =	ssyncadd.s32 $0xFFFF8000  }
0xef: {  	[hbm4b:s22+s2] =	stream.linear.scatter [tilespmem:s3], [sflag:$0x5], $0x8000, $0x38;
	[tilespmem:$0x18000] =	vst v63  }
0xf0: {  	_ =	swait.ge [sflag:s8], $0x8000  }
0xf1: {  	[sflag:s8] =	ssyncset.done $0x0  }
0xf2: {  	[sflag:s8] =	ssyncadd.s32 $0xFFFF8000  }
0xf3: {  	[tilespmem:s3], [sflag:$0x2] =	stream.linear.gather [hbm4b:s23+s2], $0x8000, $0x38;
	[tilespmem:$0x18000] =	vst v63  }
0xf4: {  	_ =	swait.ge [sflag:s9], $0x8000  }
0xf5: {  	[sflag:s9] =	ssyncset.done $0x0  }
0xf6: {  	[sflag:s9] =	ssyncadd.s32 $0xFFFF8000  }
0xf7: {  	[hbm4b:s24+s2] =	stream.linear.scatter [tilespmem:s4], [sflag:$0x6], $0x8000, $0x38;
	[tilespmem:$0x18000] =	vst v63  }
0xf8: {  	_ =	swait.ge [sflag:s10], $0x8000  }
0xf9: {  	[sflag:s10] =	ssyncset.done $0x0  }
0xfa: {  	[sflag:s10] =	ssyncadd.s32 $0xFFFF8000  }
0xfb: {  	[tilespmem:s4], [sflag:$0x3] =	stream.linear.gather [hbm4b:s25+s2], $0x8000, $0x38;
	[tilespmem:$0x18000] =	vst v63  }
0xfc: {  	_ =	swait.ge [sflag:s5], $0x8000  }
0xfd: {  	[sflag:s5] =	ssyncset.done $0x0  }
0xfe: {  	[sflag:s5] =	ssyncadd.s32 $0xFFFF8000  }
0xff: {  	[hbm4b:s26+s2] =	stream.linear.scatter [tilespmem:s2], [sflag:$0x4], $0x8000, $0x38;
	[tilespmem:$0x18000] =	vst v63  }
0x100: {  	_ =	swait.ge [sflag:s6], $0x8000  }
0x101: {  	[sflag:s6] =	ssyncset.done $0x0  }
0x102: {  	[sflag:s6] =	ssyncadd.s32 $0xFFFF8000  }
0x103: {  	[tilespmem:s2], [sflag:$0x1] =	stream.linear.gather [hbm4b:s28+s2], $0x8000, $0x38;
	[tilespmem:$0x18000] =	vst v63  }
0x104: {  	_ =	swait.ge [sflag:s7], $0x8000  }
0x105: {  	[sflag:s7] =	ssyncset.done $0x0  }
0x106: {  	[sflag:s7] =	ssyncadd.s32 $0xFFFF8000  }
0x107: {  	[hbm4b:s29+s2] =	stream.linear.scatter [tilespmem:s3], [sflag:$0x5], $0x8000, $0x38;
	[tilespmem:$0x18000] =	vst v63  }
0x108: {  	_ =	swait.ge [sflag:s9], $0x8000  }
0x109: {  	[sflag:s9] =	ssyncset.done $0x0  }
0x10a: {  	[sflag:s9] =	ssyncadd.s32 $0xFFFF8000  }
0x10b: {  	[hbm4b:s30+s2] =	stream.linear.scatter [tilespmem:s4], [sflag:$0x6], $0x8000, $0x38;
	[tilespmem:$0x18000] =	vst v63  }
0x10c: {  	_ =	swait.ge [sflag:s5], $0x8000  }
0x10d: {  	[sflag:s5] =	ssyncset.done $0x0  }
0x10e: {  	[sflag:s5] =	ssyncadd.s32 $0xFFFF8000  }
0x10f: {  	[hbm4b:s31+s2] =	stream.linear.scatter [tilespmem:s2], [sflag:$0x4], $0x8000, $0x38;
	[tilespmem:$0x18000] =	vst v63  }
0x110: {  	_ =	swait.ge [sflag:s8], $0x8000  }
0x111: {  	p0 =	sne.s32 s0, $0x1;
	[sflag:s8] =	ssyncset.done $0x0  }
.Ltmp1:
0x112: {  	[sflag:s8] =	ssyncadd.s32 $0xFFFF8000;
	(pc) =	sbr.rel @p0 .LBB2_2-.Ltmp1, $4  }
0x113: {  	_ =	swait.ge [sflag:s10], $0x8000  }
0x114: {  	[sflag:s10] =	ssyncset.done $0x0  }
0x115: {  	[sflag:s10] =	ssyncadd.s32 $0xFFFF8000  }
0x116: {  	s0 =	sadd.s32 $0xFFFFFFFF, s0;
	_ =	swait.ge [sflag:s6], $0x8000  }
.LBB2_3:
0x117: {  	[sflag:s6] =	ssyncset.done $0x0  }
0x118: {  	[sflag:s6] =	ssyncadd.s32 $0xFFFF8000  }
0x119: {  	_ =	sfence.sel $0x180000  }
0x11a: {  	[bflag:$0x0] =	sbarrier.arrive $0xFFFF  }
0x11b: {  	_ =	strace $0x90000047  }
0x11c: {  	s0 =	stileid.u32;
	[bflag:$0x2] =	sbarrier.arrive $0xFFFF  }
0x11d: {  	p0 =	sne.s32 s0, $0x0;
	s0 =	rddreg [dreg:$0x4]  }
0x11e: {  	s0 =	sadd.s32 @!p0 $0x100000, s0  }
0x11f: {  	[sflag:s0] =	ssyncadd.tile.s32 @!p0 $0x1;
	_ =	shalt  }
.Lfunc_end2:
_tile_overlayer_lowered:
.L_overlay_start_2:
0x120: {  	(tag) =	ssettag $0x2  }
0x121: {  	s0 =	rddreg [dreg:$0x0];
	s2 =	stileid.u32  }
0x122: {  	s1 =	rddreg [dreg:$0x1];
	p0 =	sne.s32 s2, $0x0  }
0x123: {  	s3 =	rddreg [dreg:$0x2];
	[bflag:$0x3] =	sbarrier.arrive $0xFFFF;
	s2 =	simm.s32 @!p0 $0x1C07  }
0x124: {  	[timem:s3], [sflag:s2] =	dma.local @!p0 [hbm:s0], s1  }
0x125: {  	s0 =	simm.s32 @!p0 $0x7  }
0x126: {  	_ =	swait.ge @!p0 [sflag:s0], s1  }
0x127: {  	s1 =	ssub.s32 @!p0 $0x0, s1;
	[sflag:s0] =	ssyncset.done @!p0 $0x0  }
0x128: {  	[sflag:s0] =	ssyncadd.s32 @!p0 s1  }
0x129: {  	[bflag:$0x3] =	sbarrier.arrive $0xFFFF  }
0x12a: {  	_ =	shalt  }

</sc_bundles>
